<compile_context>
chip_gen: v7x
topology: tpu7x:2x2x1
jax: 0.10.2.dev20260603
libtpu: 0.0.44.dev20260713+nightly
codegen_flags: <defaults>
</compile_context>

<pallas_src>
import functools

import jax
import jax.numpy as jnp
from jax import lax
from jax.experimental import pallas as pl
from jax.experimental.pallas import tpu as pltpu
from jax.experimental.pallas import tpu_sc as plsc

NSEED = 10000
NH1 = 100000
D = 32
F = 128

GB_PAD = 102400
GNW = 32
GB_W = GB_PAD // GNW
GCHUNK = 320
GNCH = GB_W // GCHUNK
T4ROWS = 250000
RJ = 12800

RA = 2000
SA = RA // 10
RB = 2000


def _gather_body(t4_hbm, idx_hbm, out_hbm, idx_v, rows0, rows1, sem0, sem1):
    wid = lax.axis_index("s") * 2 + lax.axis_index("c")
    base = wid * GB_W
    pltpu.sync_copy(idx_hbm.at[pl.ds(base, GB_W)], idx_v)
    bufs = (rows0, rows1)
    sems = (sem0, sem1)
    cps = {0: pltpu.async_copy(
        t4_hbm.at[idx_v.at[pl.ds(0, GCHUNK)]], rows0, sem0)}
    for g in range(GNCH):
        if g + 1 < GNCH:
            cps[g + 1] = pltpu.async_copy(
                t4_hbm.at[idx_v.at[pl.ds((g + 1) * GCHUNK, GCHUNK)]],
                bufs[(g + 1) % 2], sems[(g + 1) % 2])
        cps[g].wait()
        pltpu.sync_copy(bufs[g % 2],
                        out_hbm.at[pl.ds(base + g * GCHUNK, GCHUNK)])


def _sc_gather(t4, idx4_pad):
    mesh = plsc.VectorSubcoreMesh(core_axis_name="c", subcore_axis_name="s")
    return pl.kernel(
        _gather_body,
        mesh=mesh,
        out_type=jax.ShapeDtypeStruct((GB_PAD, F), jnp.float32),
        scratch_types=[
            pltpu.VMEM((GB_W,), jnp.int32),
            pltpu.VMEM((GCHUNK, F), jnp.float32),
            pltpu.VMEM((GCHUNK, F), jnp.float32),
            pltpu.SemaphoreType.DMA,
            pltpu.SemaphoreType.DMA,
        ],
        cost_estimate=pl.CostEstimate(
            flops=0, bytes_accessed=110_000_000, transcendentals=0),
    )(t4, idx4_pad)


def _repack_body(tt_ref, o_ref, tmp_ref):
    eye = jnp.eye(D, dtype=jnp.float32)
    tmp_ref[...] = lax.dot_general(
        tt_ref[...], eye, (((0,), (0,)), ((), ())),
        preferred_element_type=jnp.float32)
    o_ref[...] = jnp.concatenate(
        [tmp_ref[pl.Slice(a, RJ // 4, 4), :] for a in range(4)], axis=1)


def _repack(table_t):
    return pl.pallas_call(
        _repack_body, grid=((1000000 + RJ - 1) // RJ,),
        in_specs=[pl.BlockSpec((D, RJ), lambda i: (0, i))],
        out_specs=pl.BlockSpec((RJ // 4, F), lambda i: (i, 0)),
        out_shape=jax.ShapeDtypeStruct((T4ROWS, F), jnp.float32),
        scratch_shapes=[pltpu.VMEM((RJ, D), jnp.float32)],
    )(table_t)


def _mean10_matrix():
    ii = lax.broadcasted_iota(jnp.int32, (SA, RA), 0)
    jj = lax.broadcasted_iota(jnp.int32, (SA, RA), 1)
    return jnp.where(jj // 10 == ii, jnp.float32(0.1), jnp.float32(0.0))


def _sum5(x2_ref):
    acc = x2_ref[pl.Slice(0, RA, 5), :]
    for k in range(1, 5):
        acc = acc + x2_ref[pl.Slice(k, RA, 5), :]
    return acc



def _a_body(x1_ref, x2_ref, emb4_ref, oh_ref, xb2_ref,
            al_ref, bl_ref, b5l_ref, bl0_ref,
            wb0lo_ref, wb0hi_ref, b5b_ref, bb0_ref,
            n1_ref, g1_ref, nb1_ref, gb1_ref):
    m10 = _mean10_matrix()
    x1 = x1_ref[...]
    c2 = jnp.dot(_sum5(x2_ref), b5l_ref[...],
                 preferred_element_type=jnp.float32)
    h1 = jnp.maximum(
        jnp.dot(x1, al_ref[...], preferred_element_type=jnp.float32)
        + c2 + bl0_ref[...], 0.0)
    g1_ref[...] = jnp.dot(m10, h1, preferred_element_type=jnp.float32)
    t = jnp.dot(x1, bl_ref[...], preferred_element_type=jnp.float32)
    n1_ref[...] = jnp.dot(m10, t, preferred_element_type=jnp.float32)
    emb4 = emb4_ref[...]
    oh = oh_ref[...]
    emb = (emb4[:, 0 * D:1 * D] * oh[:, 0:1]
           + emb4[:, 1 * D:2 * D] * oh[:, 1:2]
           + emb4[:, 2 * D:3 * D] * oh[:, 2:3]
           + emb4[:, 3 * D:4 * D] * oh[:, 3:4])
    c2b = jnp.dot(_sum5(xb2_ref), b5b_ref[...],
                  preferred_element_type=jnp.float32)
    hb1 = jnp.maximum(
        jnp.dot(emb, wb0lo_ref[...], preferred_element_type=jnp.float32)
        + c2b + bb0_ref[...], 0.0)
    gb1_ref[...] = jnp.dot(m10, hb1, preferred_element_type=jnp.float32)
    me = jnp.dot(m10, emb, preferred_element_type=jnp.float32)
    nb1_ref[...] = jnp.dot(me, wb0hi_ref[...], preferred_element_type=jnp.float32)

def _b_body(x0_ref, xb0_ref, n1_ref, g1_ref, nb1_ref, gb1_ref,
            al_ref, ab_ref, wl1lo_ref, wl1hi_ref, wb1lo_ref, wb1hi_ref,
            bl0_ref, bb0_ref, bl1_ref, bb1_ref, w1f_ref, w1c_ref,
            w2_ref, b2_ref, cw_ref, out_ref):
    dot = functools.partial(jnp.dot, preferred_element_type=jnp.float32)
    h0 = jnp.maximum(dot(x0_ref[...], al_ref[...]) + n1_ref[...] + bl0_ref[...], 0.0)
    hb0 = jnp.maximum(dot(xb0_ref[...], ab_ref[...]) + nb1_ref[...] + bb0_ref[...], 0.0)
    o1 = dot(h0, wl1lo_ref[...]) + dot(g1_ref[...], wl1hi_ref[...]) + bl1_ref[...]
    ob1 = dot(hb0, wb1lo_ref[...]) + dot(gb1_ref[...], wb1hi_ref[...]) + bb1_ref[...]
    feats = [h0 * hb0, h0 * ob1, o1 * hb0, o1 * ob1, h0, o1]
    f6 = jnp.concatenate(feats, axis=1)
    lg6 = dot(f6, w1f_ref[...]) + w1c_ref[...]
    m = jnp.max(lg6, axis=1, keepdims=True)
    e6 = jnp.exp(lg6 - m)
    inv = 1.0 / jnp.sum(e6, axis=1, keepdims=True)
    out2 = (e6[:, 0:1] * feats[0] + e6[:, 1:2] * feats[1]
            + e6[:, 2:3] * feats[2] + e6[:, 3:4] * feats[3]
            + e6[:, 4:5] * feats[4] + e6[:, 5:6] * feats[5]) * inv
    cw = cw_ref[0:1, 0:1]
    out = cw * o1 + (1.0 - cw) * out2
    lg = dot(out, w2_ref[...]) + b2_ref[...]
    mm = jnp.max(lg, axis=1, keepdims=True)
    z = lg - mm
    lse = jnp.log(jnp.sum(jnp.exp(z), axis=1, keepdims=True))
    out_ref[...] = z - lse


def _full(shape):
    return pl.BlockSpec(shape, lambda i: (0, 0))


def kernel(x_0, x_1, x_2, xb_0, xb_1, xb_2, weight_trans, table,
           Wl0, bl0, Wl1, bl1, Wb0, bb0, Wb1, bb1, W1, b1, W2, b2,
           com_weight=0.8):
    f32 = jnp.float32
    wt = weight_trans.astype(f32)
    al = wt @ Wl0[:D]
    bl = wt @ Wl0[D:]
    ab = wt @ Wb0[:D]
    bb = wt @ Wb0[D:]
    b5l = bl / 5.0
    b5b = bb / 5.0
    idx = xb_1.astype(jnp.int32)
    idx4_pad = jnp.concatenate(
        [idx // 4, jnp.zeros((GB_PAD - NH1,), jnp.int32)])
    onehot = jnp.equal(
        jnp.remainder(idx, 4)[:, None],
        jnp.arange(8, dtype=jnp.int32)[None, :]).astype(f32)

    t4 = _repack(table.astype(f32).T)
    emb4 = _sc_gather(t4, idx4_pad)

    wts_a = [al, bl, b5l, bl0.reshape(1, D),
             Wb0[:D], Wb0[D:], b5b, bb0.reshape(1, D)]
    in_specs_a = [
        pl.BlockSpec((RA, F), lambda i: (i, 0)),
        pl.BlockSpec((5 * RA, F), lambda i: (i, 0)),
        pl.BlockSpec((RA, F), lambda i: (i, 0)),
        pl.BlockSpec((RA, 8), lambda i: (i, 0)),
        pl.BlockSpec((5 * RA, F), lambda i: (i, 0)),
    ] + [_full(w.shape) for w in wts_a]
    n1, g1, nb1, gb1 = pl.pallas_call(
        _a_body, grid=(NH1 // RA,), in_specs=in_specs_a,
        out_specs=[pl.BlockSpec((SA, D), lambda i: (i, 0))] * 4,
        out_shape=[jax.ShapeDtypeStruct((NSEED, D), jnp.float32)] * 4,
    )(x_1, x_2, emb4, onehot, xb_2, *wts_a)

    w1f = jnp.zeros((6 * D, 8), f32)
    for i in range(6):
        w1f = w1f.at[i * D:(i + 1) * D, i].set(W1[:D, 0])
    w1c = jnp.full((1, 8), -1e30, f32).at[0, :6].set(W1[D:, 0] + b1[0])
    cw = jnp.asarray(com_weight, f32).reshape(1, 1)
    weights_b = [al, ab, Wl1[:D], Wl1[D:], Wb1[:D], Wb1[D:],
                 bl0.reshape(1, D), bb0.reshape(1, D),
                 bl1.reshape(1, D), bb1.reshape(1, D),
                 w1f, w1c, W2, b2.reshape(1, D), cw]

    grid = (NSEED // RB,)
    in_specs = (
        [pl.BlockSpec((RB, F), lambda i: (i, 0))] * 2
        + [pl.BlockSpec((RB, D), lambda i: (i, 0))] * 4
        + [_full(w.shape) for w in weights_b]
    )
    out = pl.pallas_call(
        _b_body, grid=grid, in_specs=in_specs,
        out_specs=pl.BlockSpec((RB, D), lambda i: (i, 0)),
        out_shape=jax.ShapeDtypeStruct((NSEED, D), jnp.float32),
    )(x_0, xb_0, n1, g1, nb1, gb1, *weights_b)
    return out

# --- scband reference (transcript-rebuilt; emitter-appended) ---
"""Pipeline reference for scband-gcrbi-58789512348201 (READ-ONLY COPY).

The authoritative reference and input builder live on the scoring server;
editing this copy changes nothing except your own understanding.
"""

import jax, jax.numpy as jnp
import numpy as np

N = 10000
NEIGH = [10, 5]
NEIGH_BI = [10, 5]
NFEAT = 128
TDIM = 32
TNUM = 1000000
NCLASS = 32
BI_NUM = 6


def dense_layer(self_feat, neigh_feat, n, W, b):
    # GraphSAGE-style dense aggregation: mean over n sampled neighbors,
    # concat with self features, then linear projection.
    d = neigh_feat.shape[-1]
    neigh = neigh_feat.reshape(-1, n, d).mean(axis=1)
    return jnp.concatenate([self_feat, neigh], axis=1) @ W + b


def setup_inputs(seed: int = 0) -> dict:
    key = jax.random.key(seed)
    ks = jax.random.split(key, 16)
    inp = {}
    inp["x_0"] = jax.random.normal(ks[0], (N, NFEAT), dtype=jnp.float32)
    inp["x_1"] = jax.random.normal(ks[1], (N * NEIGH[0], NFEAT), dtype=jnp.float32)
    inp["x_2"] = jax.random.normal(ks[2], (N * NEIGH[0] * NEIGH[1], NFEAT), dtype=jnp.float32)
    inp["xb_0"] = jax.random.normal(ks[3], (N, NFEAT), dtype=jnp.float32)
    inp["xb_1"] = jax.random.randint(ks[4], (N * NEIGH_BI[0],), 0, TNUM)
    inp["xb_2"] = jax.random.normal(ks[5], (N * NEIGH_BI[0] * NEIGH_BI[1], NFEAT), dtype=jnp.float32)
    inp["weight_trans"] = jax.random.uniform(ks[6], (NFEAT, TDIM), minval=-1.0, maxval=1.0) / np.sqrt(TDIM)
    inp["table"] = jax.random.normal(ks[7], (TNUM, TDIM), dtype=jnp.float32) * 0.02
    inp["Wl0"] = jax.random.normal(ks[8], (2 * TDIM, TDIM), dtype=jnp.float32) / np.sqrt(2 * TDIM)
    inp["bl0"] = jnp.zeros((TDIM,), dtype=jnp.float32)
    inp["Wl1"] = jax.random.normal(ks[9], (2 * TDIM, TDIM), dtype=jnp.float32) / np.sqrt(2 * TDIM)
    inp["bl1"] = jnp.zeros((TDIM,), dtype=jnp.float32)
    inp["Wb0"] = jax.random.normal(ks[10], (2 * TDIM, TDIM), dtype=jnp.float32) / np.sqrt(2 * TDIM)
    inp["bb0"] = jnp.zeros((TDIM,), dtype=jnp.float32)
    inp["Wb1"] = jax.random.normal(ks[11], (2 * TDIM, TDIM), dtype=jnp.float32) / np.sqrt(2 * TDIM)
    inp["bb1"] = jnp.zeros((TDIM,), dtype=jnp.float32)
    inp["W1"] = jax.random.normal(ks[12], (TDIM + BI_NUM, 1), dtype=jnp.float32) / np.sqrt(TDIM + BI_NUM)
    inp["b1"] = jnp.zeros((1,), dtype=jnp.float32)
    inp["W2"] = jax.random.normal(ks[13], (TDIM, NCLASS), dtype=jnp.float32) / np.sqrt(TDIM)
    inp["b2"] = jnp.zeros((NCLASS,), dtype=jnp.float32)
    inp["com_weight"] = jnp.float32(0.8)
    return inp


def reference(x_0, x_1, x_2, xb_0, xb_1, xb_2, weight_trans, table,
              Wl0, bl0, Wl1, bl1, Wb0, bb0, Wb1, bb1, W1, b1, W2, b2,
              com_weight=0.8):
    num_layer = 2
    # emb_transform: spmm(x_i, weight_trans)
    x = [x_0 @ weight_trans, x_1 @ weight_trans, x_2 @ weight_trans]
    layer_params = [(Wl0, bl0), (Wl1, bl1)]
    x1_layer = []
    for l in range(num_layer):
        W, b = layer_params[l]
        nxt = []
        for i in range(num_layer - l):
            h = dense_layer(x[i], x[i + 1], NEIGH[i], W, b)
            if l == num_layer - 2:
                h = jax.nn.relu(h)  # dropout is identity in eval mode
            nxt.append(h)
        x = nxt
        x1_layer.append(x[0])
    output_1 = x[0]
    # table_embedding: even positions spmm, odd positions embedding lookup
    xb = [xb_0 @ weight_trans, jnp.take(table, xb_1, axis=0), xb_2 @ weight_trans]
    layer_params_bi = [(Wb0, bb0), (Wb1, bb1)]
    x2_layer = []
    for l in range(num_layer):
        W, b = layer_params_bi[l]
        nxt = []
        for i in range(num_layer - l):
            h = dense_layer(xb[i], xb[i + 1], NEIGH_BI[i], W, b)
            if l == num_layer - 2:
                h = jax.nn.relu(h)
            nxt.append(h)
        xb = nxt
        x2_layer.append(xb[0])
    # bi_cross_layer ('cross' mode -> bi_num = 6)
    cross = []
    for xi in x1_layer:
        for xj in x2_layer:
            cross.append(xi * xj)
    cross = cross + x1_layer
    feats = jnp.stack(cross, axis=1)  # [N, bi_num, tdim]
    ind = jnp.broadcast_to(jnp.eye(BI_NUM, dtype=feats.dtype), (feats.shape[0], BI_NUM, BI_NUM))
    feats_cat = jnp.concatenate([feats, ind], axis=2)  # [N, bi_num, tdim + bi_num]
    atten = feats_cat @ W1 + b1  # [N, bi_num, 1]
    atten = jax.nn.softmax(atten, axis=1)
    output_2 = jnp.sum(atten * feats, axis=1)  # [N, tdim]
    output = com_weight * output_1 + (1.0 - com_weight) * output_2
    logits = output @ W2 + b2
    return jax.nn.log_softmax(logits, axis=1)

if __name__ == "__main__":
    import jax
    _d = setup_inputs()
    print(jax.jit(kernel)(*tuple(_d.values())))

</pallas_src>

<mosaic_0001>
#map = affine_map<(d0, d1) -> (0, 0)>
#map1 = affine_map<(d0, d1) -> (0)>
module attributes {stable_mosaic.version = 14 : i64} {
  func.func @_gather_body(%arg0: i32, %arg1: i32, %arg2: memref<250000x128xf32, #tpu.memory_space<hbm>>, %arg3: memref<102400xi32, #tpu.memory_space<hbm>>, %arg4: memref<102400x128xf32, #tpu.memory_space<hbm>>, %arg5: memref<3200xi32, #tpu.memory_space<vmem>>, %arg6: memref<320x128xf32, #tpu.memory_space<vmem>>, %arg7: memref<320x128xf32, #tpu.memory_space<vmem>>, %arg8: memref<!tpu.dma_semaphore, #tpu.memory_space<semaphore_mem>>, %arg9: memref<!tpu.dma_semaphore, #tpu.memory_space<semaphore_mem>>) attributes {dimension_semantics = [#tpu.dimension_semantics<core_parallel>, #tpu.dimension_semantics<subcore_parallel>], iteration_bounds = array<i64: 2, 16>, scalar_prefetch = 0 : i64, scratch_operands = 5 : i64, tpu.core_type = #tpu.core_type<sc_vector_subcore>, window_params = [{transform_indices = #map}, {transform_indices = #map1}, {transform_indices = #map}]} {
    %mul3A = arith.constant 2 : i32
    %mul3A_0 = arith.muli %arg1, %mul3A : i32
    %add3A = arith.addi %mul3A_0, %arg0 : i32
    %mul3A_1 = arith.constant 3200 : i32
    %mul3A_2 = arith.muli %add3A, %mul3A_1 : i32
    "tpu.region"() ({
      %run_scoped3A = tpu.sem_alloc : memref<!tpu.dma_semaphore, #tpu.memory_space<semaphore_mem>>
      %dma_start3A_121 = tpu.memref_slice %arg3[%mul3A_2] : memref<102400xi32, #tpu.memory_space<hbm>> -> memref<3200xi32, #tpu.memory_space<hbm>>
      %dma_start3A_122 = tpu.memref_slice %arg3[%mul3A_2] : memref<102400xi32, #tpu.memory_space<hbm>> -> memref<3200xi32, #tpu.memory_space<hbm>>
      tpu.enqueue_dma source(%dma_start3A_122 : memref<3200xi32, #tpu.memory_space<hbm>>) target(%arg5 : memref<3200xi32, #tpu.memory_space<vmem>>) target_semaphore(%run_scoped3A : memref<!tpu.dma_semaphore, #tpu.memory_space<semaphore_mem>>)
      %dma_wait3A_123 = tpu.memref_slice %arg3[%mul3A_2] : memref<102400xi32, #tpu.memory_space<hbm>> -> memref<3200xi32, #tpu.memory_space<hbm>>
      %dma_wait3A_124 = tpu.memref_slice %arg3[%mul3A_2] : memref<102400xi32, #tpu.memory_space<hbm>> -> memref<3200xi32, #tpu.memory_space<hbm>>
      tpu.wait_dma2 semaphore(%run_scoped3A : memref<!tpu.dma_semaphore, #tpu.memory_space<semaphore_mem>>) src(%dma_wait3A_124 : memref<3200xi32, #tpu.memory_space<hbm>>) dst(%arg5 : memref<3200xi32, #tpu.memory_space<vmem>>)
      tpu.yield
    }) : () -> ()
    %dma_start3A = arith.constant 0 : i32
    %dma_start3A_3 = tpu.memref_slice %arg5[%dma_start3A] : memref<3200xi32, #tpu.memory_space<vmem>> -> memref<320xi32, #tpu.memory_space<vmem>>
    %dma_start3A_4 = arith.constant 0 : i32
    %dma_start3A_5 = arith.constant 0 : i32
    %dma_start3A_6 = tpu.memref_slice %arg2[%dma_start3A_4, %dma_start3A_5] : memref<250000x128xf32, #tpu.memory_space<hbm>> -> memref<250000x128xf32, #tpu.memory_space<hbm>>
    tpu.enqueue_indirect_dma source(%dma_start3A_6 : memref<250000x128xf32, #tpu.memory_space<hbm>>) target(%arg6 : memref<320x128xf32, #tpu.memory_space<vmem>>) offsets(%dma_start3A_3 : memref<320xi32, #tpu.memory_space<vmem>>) semaphore(%arg8 : memref<!tpu.dma_semaphore, #tpu.memory_space<semaphore_mem>>)
    %dma_start3A_7 = arith.constant 320 : i32
    %dma_start3A_8 = tpu.memref_slice %arg5[%dma_start3A_7] : memref<3200xi32, #tpu.memory_space<vmem>> -> memref<320xi32, #tpu.memory_space<vmem>>
    %dma_start3A_9 = arith.constant 0 : i32
    %dma_start3A_10 = arith.constant 0 : i32
    %dma_start3A_11 = tpu.memref_slice %arg2[%dma_start3A_9, %dma_start3A_10] : memref<250000x128xf32, #tpu.memory_space<hbm>> -> memref<250000x128xf32, #tpu.memory_space<hbm>>
    tpu.enqueue_indirect_dma source(%dma_start3A_11 : memref<250000x128xf32, #tpu.memory_space<hbm>>) target(%arg7 : memref<320x128xf32, #tpu.memory_space<vmem>>) offsets(%dma_start3A_8 : memref<320xi32, #tpu.memory_space<vmem>>) semaphore(%arg9 : memref<!tpu.dma_semaphore, #tpu.memory_space<semaphore_mem>>)
    %dma_wait3A = arith.constant 0 : i32
    %dma_wait3A_12 = tpu.memref_slice %arg5[%dma_wait3A] : memref<3200xi32, #tpu.memory_space<vmem>> -> memref<320xi32, #tpu.memory_space<vmem>>
    %dma_wait3A_13 = arith.constant 0 : i32
    %dma_wait3A_14 = arith.constant 0 : i32
    %dma_wait3A_15 = tpu.memref_slice %arg2[%dma_wait3A_13, %dma_wait3A_14] : memref<250000x128xf32, #tpu.memory_space<hbm>> -> memref<250000x128xf32, #tpu.memory_space<hbm>>
    tpu.wait_indirect_dma semaphore(%arg8 : memref<!tpu.dma_semaphore, #tpu.memory_space<semaphore_mem>>) src(%dma_wait3A_15 : memref<250000x128xf32, #tpu.memory_space<hbm>>) dst(%arg6 : memref<320x128xf32, #tpu.memory_space<vmem>>)
    %add3A_16 = arith.constant 0 : i32
    %add3A_17 = arith.addi %mul3A_2, %add3A_16 : i32
    "tpu.region"() ({
      %run_scoped3A = tpu.sem_alloc : memref<!tpu.dma_semaphore, #tpu.memory_space<semaphore_mem>>
      %dma_start3A_121 = arith.constant 0 : i32
      %dma_start3A_122 = tpu.memref_slice %arg4[%add3A_17, %dma_start3A_121] : memref<102400x128xf32, #tpu.memory_space<hbm>> -> memref<320x128xf32, #tpu.memory_space<hbm>>
      %dma_start3A_123 = arith.constant 0 : i32
      %dma_start3A_124 = tpu.memref_slice %arg4[%add3A_17, %dma_start3A_123] : memref<102400x128xf32, #tpu.memory_space<hbm>> -> memref<320x128xf32, #tpu.memory_space<hbm>>
      tpu.enqueue_dma source(%arg6 : memref<320x128xf32, #tpu.memory_space<vmem>>) target(%dma_start3A_124 : memref<320x128xf32, #tpu.memory_space<hbm>>) target_semaphore(%run_scoped3A : memref<!tpu.dma_semaphore, #tpu.memory_space<semaphore_mem>>)
      %dma_wait3A_125 = arith.constant 0 : i32
      %dma_wait3A_126 = tpu.memref_slice %arg4[%add3A_17, %dma_wait3A_125] : memref<102400x128xf32, #tpu.memory_space<hbm>> -> memref<320x128xf32, #tpu.memory_space<hbm>>
      %dma_wait3A_127 = arith.constant 0 : i32
      %dma_wait3A_128 = tpu.memref_slice %arg4[%add3A_17, %dma_wait3A_127] : memref<102400x128xf32, #tpu.memory_space<hbm>> -> memref<320x128xf32, #tpu.memory_space<hbm>>
      tpu.wait_dma2 semaphore(%run_scoped3A : memref<!tpu.dma_semaphore, #tpu.memory_space<semaphore_mem>>) src(%arg6 : memref<320x128xf32, #tpu.memory_space<vmem>>) dst(%dma_wait3A_128 : memref<320x128xf32, #tpu.memory_space<hbm>>)
      tpu.yield
    }) : () -> ()
    %dma_start3A_18 = arith.constant 640 : i32
    %dma_start3A_19 = tpu.memref_slice %arg5[%dma_start3A_18] : memref<3200xi32, #tpu.memory_space<vmem>> -> memref<320xi32, #tpu.memory_space<vmem>>
    %dma_start3A_20 = arith.constant 0 : i32
    %dma_start3A_21 = arith.constant 0 : i32
    %dma_start3A_22 = tpu.memref_slice %arg2[%dma_start3A_20, %dma_start3A_21] : memref<250000x128xf32, #tpu.memory_space<hbm>> -> memref<250000x128xf32, #tpu.memory_space<hbm>>
    tpu.enqueue_indirect_dma source(%dma_start3A_22 : memref<250000x128xf32, #tpu.memory_space<hbm>>) target(%arg6 : memref<320x128xf32, #tpu.memory_space<vmem>>) offsets(%dma_start3A_19 : memref<320xi32, #tpu.memory_space<vmem>>) semaphore(%arg8 : memref<!tpu.dma_semaphore, #tpu.memory_space<semaphore_mem>>)
    %dma_wait3A_23 = arith.constant 320 : i32
    %dma_wait3A_24 = tpu.memref_slice %arg5[%dma_wait3A_23] : memref<3200xi32, #tpu.memory_space<vmem>> -> memref<320xi32, #tpu.memory_space<vmem>>
    %dma_wait3A_25 = arith.constant 0 : i32
    %dma_wait3A_26 = arith.constant 0 : i32
    %dma_wait3A_27 = tpu.memref_slice %arg2[%dma_wait3A_25, %dma_wait3A_26] : memref<250000x128xf32, #tpu.memory_space<hbm>> -> memref<250000x128xf32, #tpu.memory_space<hbm>>
    tpu.wait_indirect_dma semaphore(%arg9 : memref<!tpu.dma_semaphore, #tpu.memory_space<semaphore_mem>>) src(%dma_wait3A_27 : memref<250000x128xf32, #tpu.memory_space<hbm>>) dst(%arg7 : memref<320x128xf32, #tpu.memory_space<vmem>>)
    %add3A_28 = arith.constant 320 : i32
    %add3A_29 = arith.addi %mul3A_2, %add3A_28 : i32
    "tpu.region"() ({
      %run_scoped3A = tpu.sem_alloc : memref<!tpu.dma_semaphore, #tpu.memory_space<semaphore_mem>>
      %dma_start3A_121 = arith.constant 0 : i32
      %dma_start3A_122 = tpu.memref_slice %arg4[%add3A_29, %dma_start3A_121] : memref<102400x128xf32, #tpu.memory_space<hbm>> -> memref<320x128xf32, #tpu.memory_space<hbm>>
      %dma_start3A_123 = arith.constant 0 : i32
      %dma_start3A_124 = tpu.memref_slice %arg4[%add3A_29, %dma_start3A_123] : memref<102400x128xf32, #tpu.memory_space<hbm>> -> memref<320x128xf32, #tpu.memory_space<hbm>>
      tpu.enqueue_dma source(%arg7 : memref<320x128xf32, #tpu.memory_space<vmem>>) target(%dma_start3A_124 : memref<320x128xf32, #tpu.memory_space<hbm>>) target_semaphore(%run_scoped3A : memref<!tpu.dma_semaphore, #tpu.memory_space<semaphore_mem>>)
      %dma_wait3A_125 = arith.constant 0 : i32
      %dma_wait3A_126 = tpu.memref_slice %arg4[%add3A_29, %dma_wait3A_125] : memref<102400x128xf32, #tpu.memory_space<hbm>> -> memref<320x128xf32, #tpu.memory_space<hbm>>
      %dma_wait3A_127 = arith.constant 0 : i32
      %dma_wait3A_128 = tpu.memref_slice %arg4[%add3A_29, %dma_wait3A_127] : memref<102400x128xf32, #tpu.memory_space<hbm>> -> memref<320x128xf32, #tpu.memory_space<hbm>>
      tpu.wait_dma2 semaphore(%run_scoped3A : memref<!tpu.dma_semaphore, #tpu.memory_space<semaphore_mem>>) src(%arg7 : memref<320x128xf32, #tpu.memory_space<vmem>>) dst(%dma_wait3A_128 : memref<320x128xf32, #tpu.memory_space<hbm>>)
      tpu.yield
    }) : () -> ()
    %dma_start3A_30 = arith.constant 960 : i32
    %dma_start3A_31 = tpu.memref_slice %arg5[%dma_start3A_30] : memref<3200xi32, #tpu.memory_space<vmem>> -> memref<320xi32, #tpu.memory_space<vmem>>
    %dma_start3A_32 = arith.constant 0 : i32
    %dma_start3A_33 = arith.constant 0 : i32
    %dma_start3A_34 = tpu.memref_slice %arg2[%dma_start3A_32, %dma_start3A_33] : memref<250000x128xf32, #tpu.memory_space<hbm>> -> memref<250000x128xf32, #tpu.memory_space<hbm>>
    tpu.enqueue_indirect_dma source(%dma_start3A_34 : memref<250000x128xf32, #tpu.memory_space<hbm>>) target(%arg7 : memref<320x128xf32, #tpu.memory_space<vmem>>) offsets(%dma_start3A_31 : memref<320xi32, #tpu.memory_space<vmem>>) semaphore(%arg9 : memref<!tpu.dma_semaphore, #tpu.memory_space<semaphore_mem>>)
    %dma_wait3A_35 = arith.constant 640 : i32
    %dma_wait3A_36 = tpu.memref_slice %arg5[%dma_wait3A_35] : memref<3200xi32, #tpu.memory_space<vmem>> -> memref<320xi32, #tpu.memory_space<vmem>>
    %dma_wait3A_37 = arith.constant 0 : i32
    %dma_wait3A_38 = arith.constant 0 : i32
    %dma_wait3A_39 = tpu.memref_slice %arg2[%dma_wait3A_37, %dma_wait3A_38] : memref<250000x128xf32, #tpu.memory_space<hbm>> -> memref<250000x128xf32, #tpu.memory_space<hbm>>
    tpu.wait_indirect_dma semaphore(%arg8 : memref<!tpu.dma_semaphore, #tpu.memory_space<semaphore_mem>>) src(%dma_wait3A_39 : memref<250000x128xf32, #tpu.memory_space<hbm>>) dst(%arg6 : memref<320x128xf32, #tpu.memory_space<vmem>>)
    %add3A_40 = arith.constant 640 : i32
    %add3A_41 = arith.addi %mul3A_2, %add3A_40 : i32
    "tpu.region"() ({
      %run_scoped3A = tpu.sem_alloc : memref<!tpu.dma_semaphore, #tpu.memory_space<semaphore_mem>>
      %dma_start3A_121 = arith.constant 0 : i32
      %dma_start3A_122 = tpu.memref_slice %arg4[%add3A_41, %dma_start3A_121] : memref<102400x128xf32, #tpu.memory_space<hbm>> -> memref<320x128xf32, #tpu.memory_space<hbm>>
      %dma_start3A_123 = arith.constant 0 : i32
      %dma_start3A_124 = tpu.memref_slice %arg4[%add3A_41, %dma_start3A_123] : memref<102400x128xf32, #tpu.memory_space<hbm>> -> memref<320x128xf32, #tpu.memory_space<hbm>>
      tpu.enqueue_dma source(%arg6 : memref<320x128xf32, #tpu.memory_space<vmem>>) target(%dma_start3A_124 : memref<320x128xf32, #tpu.memory_space<hbm>>) target_semaphore(%run_scoped3A : memref<!tpu.dma_semaphore, #tpu.memory_space<semaphore_mem>>)
      %dma_wait3A_125 = arith.constant 0 : i32
      %dma_wait3A_126 = tpu.memref_slice %arg4[%add3A_41, %dma_wait3A_125] : memref<102400x128xf32, #tpu.memory_space<hbm>> -> memref<320x128xf32, #tpu.memory_space<hbm>>
      %dma_wait3A_127 = arith.constant 0 : i32
      %dma_wait3A_128 = tpu.memref_slice %arg4[%add3A_41, %dma_wait3A_127] : memref<102400x128xf32, #tpu.memory_space<hbm>> -> memref<320x128xf32, #tpu.memory_space<hbm>>
      tpu.wait_dma2 semaphore(%run_scoped3A : memref<!tpu.dma_semaphore, #tpu.memory_space<semaphore_mem>>) src(%arg6 : memref<320x128xf32, #tpu.memory_space<vmem>>) dst(%dma_wait3A_128 : memref<320x128xf32, #tpu.memory_space<hbm>>)
      tpu.yield
    }) : () -> ()
    %dma_start3A_42 = arith.constant 1280 : i32
    %dma_start3A_43 = tpu.memref_slice %arg5[%dma_start3A_42] : memref<3200xi32, #tpu.memory_space<vmem>> -> memref<320xi32, #tpu.memory_space<vmem>>
    %dma_start3A_44 = arith.constant 0 : i32
    %dma_start3A_45 = arith.constant 0 : i32
    %dma_start3A_46 = tpu.memref_slice %arg2[%dma_start3A_44, %dma_start3A_45] : memref<250000x128xf32, #tpu.memory_space<hbm>> -> memref<250000x128xf32, #tpu.memory_space<hbm>>
    tpu.enqueue_indirect_dma source(%dma_start3A_46 : memref<250000x128xf32, #tpu.memory_space<hbm>>) target(%arg6 : memref<320x128xf32, #tpu.memory_space<vmem>>) offsets(%dma_start3A_43 : memref<320xi32, #tpu.memory_space<vmem>>) semaphore(%arg8 : memref<!tpu.dma_semaphore, #tpu.memory_space<semaphore_mem>>)
    %dma_wait3A_47 = arith.constant 960 : i32
    %dma_wait3A_48 = tpu.memref_slice %arg5[%dma_wait3A_47] : memref<3200xi32, #tpu.memory_space<vmem>> -> memref<320xi32, #tpu.memory_space<vmem>>
    %dma_wait3A_49 = arith.constant 0 : i32
    %dma_wait3A_50 = arith.constant 0 : i32
    %dma_wait3A_51 = tpu.memref_slice %arg2[%dma_wait3A_49, %dma_wait3A_50] : memref<250000x128xf32, #tpu.memory_space<hbm>> -> memref<250000x128xf32, #tpu.memory_space<hbm>>
    tpu.wait_indirect_dma semaphore(%arg9 : memref<!tpu.dma_semaphore, #tpu.memory_space<semaphore_mem>>) src(%dma_wait3A_51 : memref<250000x128xf32, #tpu.memory_space<hbm>>) dst(%arg7 : memref<320x128xf32, #tpu.memory_space<vmem>>)
    %add3A_52 = arith.constant 960 : i32
    %add3A_53 = arith.addi %mul3A_2, %add3A_52 : i32
    "tpu.region"() ({
      %run_scoped3A = tpu.sem_alloc : memref<!tpu.dma_semaphore, #tpu.memory_space<semaphore_mem>>
      %dma_start3A_121 = arith.constant 0 : i32
      %dma_start3A_122 = tpu.memref_slice %arg4[%add3A_53, %dma_start3A_121] : memref<102400x128xf32, #tpu.memory_space<hbm>> -> memref<320x128xf32, #tpu.memory_space<hbm>>
      %dma_start3A_123 = arith.constant 0 : i32
      %dma_start3A_124 = tpu.memref_slice %arg4[%add3A_53, %dma_start3A_123] : memref<102400x128xf32, #tpu.memory_space<hbm>> -> memref<320x128xf32, #tpu.memory_space<hbm>>
      tpu.enqueue_dma source(%arg7 : memref<320x128xf32, #tpu.memory_space<vmem>>) target(%dma_start3A_124 : memref<320x128xf32, #tpu.memory_space<hbm>>) target_semaphore(%run_scoped3A : memref<!tpu.dma_semaphore, #tpu.memory_space<semaphore_mem>>)
      %dma_wait3A_125 = arith.constant 0 : i32
      %dma_wait3A_126 = tpu.memref_slice %arg4[%add3A_53, %dma_wait3A_125] : memref<102400x128xf32, #tpu.memory_space<hbm>> -> memref<320x128xf32, #tpu.memory_space<hbm>>
      %dma_wait3A_127 = arith.constant 0 : i32
      %dma_wait3A_128 = tpu.memref_slice %arg4[%add3A_53, %dma_wait3A_127] : memref<102400x128xf32, #tpu.memory_space<hbm>> -> memref<320x128xf32, #tpu.memory_space<hbm>>
      tpu.wait_dma2 semaphore(%run_scoped3A : memref<!tpu.dma_semaphore, #tpu.memory_space<semaphore_mem>>) src(%arg7 : memref<320x128xf32, #tpu.memory_space<vmem>>) dst(%dma_wait3A_128 : memref<320x128xf32, #tpu.memory_space<hbm>>)
      tpu.yield
    }) : () -> ()
    %dma_start3A_54 = arith.constant 1600 : i32
    %dma_start3A_55 = tpu.memref_slice %arg5[%dma_start3A_54] : memref<3200xi32, #tpu.memory_space<vmem>> -> memref<320xi32, #tpu.memory_space<vmem>>
    %dma_start3A_56 = arith.constant 0 : i32
    %dma_start3A_57 = arith.constant 0 : i32
    %dma_start3A_58 = tpu.memref_slice %arg2[%dma_start3A_56, %dma_start3A_57] : memref<250000x128xf32, #tpu.memory_space<hbm>> -> memref<250000x128xf32, #tpu.memory_space<hbm>>
    tpu.enqueue_indirect_dma source(%dma_start3A_58 : memref<250000x128xf32, #tpu.memory_space<hbm>>) target(%arg7 : memref<320x128xf32, #tpu.memory_space<vmem>>) offsets(%dma_start3A_55 : memref<320xi32, #tpu.memory_space<vmem>>) semaphore(%arg9 : memref<!tpu.dma_semaphore, #tpu.memory_space<semaphore_mem>>)
    %dma_wait3A_59 = arith.constant 1280 : i32
    %dma_wait3A_60 = tpu.memref_slice %arg5[%dma_wait3A_59] : memref<3200xi32, #tpu.memory_space<vmem>> -> memref<320xi32, #tpu.memory_space<vmem>>
    %dma_wait3A_61 = arith.constant 0 : i32
    %dma_wait3A_62 = arith.constant 0 : i32
    %dma_wait3A_63 = tpu.memref_slice %arg2[%dma_wait3A_61, %dma_wait3A_62] : memref<250000x128xf32, #tpu.memory_space<hbm>> -> memref<250000x128xf32, #tpu.memory_space<hbm>>
    tpu.wait_indirect_dma semaphore(%arg8 : memref<!tpu.dma_semaphore, #tpu.memory_space<semaphore_mem>>) src(%dma_wait3A_63 : memref<250000x128xf32, #tpu.memory_space<hbm>>) dst(%arg6 : memref<320x128xf32, #tpu.memory_space<vmem>>)
    %add3A_64 = arith.constant 1280 : i32
    %add3A_65 = arith.addi %mul3A_2, %add3A_64 : i32
    "tpu.region"() ({
      %run_scoped3A = tpu.sem_alloc : memref<!tpu.dma_semaphore, #tpu.memory_space<semaphore_mem>>
      %dma_start3A_121 = arith.constant 0 : i32
      %dma_start3A_122 = tpu.memref_slice %arg4[%add3A_65, %dma_start3A_121] : memref<102400x128xf32, #tpu.memory_space<hbm>> -> memref<320x128xf32, #tpu.memory_space<hbm>>
      %dma_start3A_123 = arith.constant 0 : i32
      %dma_start3A_124 = tpu.memref_slice %arg4[%add3A_65, %dma_start3A_123] : memref<102400x128xf32, #tpu.memory_space<hbm>> -> memref<320x128xf32, #tpu.memory_space<hbm>>
      tpu.enqueue_dma source(%arg6 : memref<320x128xf32, #tpu.memory_space<vmem>>) target(%dma_start3A_124 : memref<320x128xf32, #tpu.memory_space<hbm>>) target_semaphore(%run_scoped3A : memref<!tpu.dma_semaphore, #tpu.memory_space<semaphore_mem>>)
      %dma_wait3A_125 = arith.constant 0 : i32
      %dma_wait3A_126 = tpu.memref_slice %arg4[%add3A_65, %dma_wait3A_125] : memref<102400x128xf32, #tpu.memory_space<hbm>> -> memref<320x128xf32, #tpu.memory_space<hbm>>
      %dma_wait3A_127 = arith.constant 0 : i32
      %dma_wait3A_128 = tpu.memref_slice %arg4[%add3A_65, %dma_wait3A_127] : memref<102400x128xf32, #tpu.memory_space<hbm>> -> memref<320x128xf32, #tpu.memory_space<hbm>>
      tpu.wait_dma2 semaphore(%run_scoped3A : memref<!tpu.dma_semaphore, #tpu.memory_space<semaphore_mem>>) src(%arg6 : memref<320x128xf32, #tpu.memory_space<vmem>>) dst(%dma_wait3A_128 : memref<320x128xf32, #tpu.memory_space<hbm>>)
      tpu.yield
    }) : () -> ()
    %dma_start3A_66 = arith.constant 1920 : i32
    %dma_start3A_67 = tpu.memref_slice %arg5[%dma_start3A_66] : memref<3200xi32, #tpu.memory_space<vmem>> -> memref<320xi32, #tpu.memory_space<vmem>>
    %dma_start3A_68 = arith.constant 0 : i32
    %dma_start3A_69 = arith.constant 0 : i32
    %dma_start3A_70 = tpu.memref_slice %arg2[%dma_start3A_68, %dma_start3A_69] : memref<250000x128xf32, #tpu.memory_space<hbm>> -> memref<250000x128xf32, #tpu.memory_space<hbm>>
    tpu.enqueue_indirect_dma source(%dma_start3A_70 : memref<250000x128xf32, #tpu.memory_space<hbm>>) target(%arg6 : memref<320x128xf32, #tpu.memory_space<vmem>>) offsets(%dma_start3A_67 : memref<320xi32, #tpu.memory_space<vmem>>) semaphore(%arg8 : memref<!tpu.dma_semaphore, #tpu.memory_space<semaphore_mem>>)
    %dma_wait3A_71 = arith.constant 1600 : i32
    %dma_wait3A_72 = tpu.memref_slice %arg5[%dma_wait3A_71] : memref<3200xi32, #tpu.memory_space<vmem>> -> memref<320xi32, #tpu.memory_space<vmem>>
    %dma_wait3A_73 = arith.constant 0 : i32
    %dma_wait3A_74 = arith.constant 0 : i32
    %dma_wait3A_75 = tpu.memref_slice %arg2[%dma_wait3A_73, %dma_wait3A_74] : memref<250000x128xf32, #tpu.memory_space<hbm>> -> memref<250000x128xf32, #tpu.memory_space<hbm>>
    tpu.wait_indirect_dma semaphore(%arg9 : memref<!tpu.dma_semaphore, #tpu.memory_space<semaphore_mem>>) src(%dma_wait3A_75 : memref<250000x128xf32, #tpu.memory_space<hbm>>) dst(%arg7 : memref<320x128xf32, #tpu.memory_space<vmem>>)
    %add3A_76 = arith.constant 1600 : i32
    %add3A_77 = arith.addi %mul3A_2, %add3A_76 : i32
    "tpu.region"() ({
      %run_scoped3A = tpu.sem_alloc : memref<!tpu.dma_semaphore, #tpu.memory_space<semaphore_mem>>
      %dma_start3A_121 = arith.constant 0 : i32
      %dma_start3A_122 = tpu.memref_slice %arg4[%add3A_77, %dma_start3A_121] : memref<102400x128xf32, #tpu.memory_space<hbm>> -> memref<320x128xf32, #tpu.memory_space<hbm>>
      %dma_start3A_123 = arith.constant 0 : i32
      %dma_start3A_124 = tpu.memref_slice %arg4[%add3A_77, %dma_start3A_123] : memref<102400x128xf32, #tpu.memory_space<hbm>> -> memref<320x128xf32, #tpu.memory_space<hbm>>
      tpu.enqueue_dma source(%arg7 : memref<320x128xf32, #tpu.memory_space<vmem>>) target(%dma_start3A_124 : memref<320x128xf32, #tpu.memory_space<hbm>>) target_semaphore(%run_scoped3A : memref<!tpu.dma_semaphore, #tpu.memory_space<semaphore_mem>>)
      %dma_wait3A_125 = arith.constant 0 : i32
      %dma_wait3A_126 = tpu.memref_slice %arg4[%add3A_77, %dma_wait3A_125] : memref<102400x128xf32, #tpu.memory_space<hbm>> -> memref<320x128xf32, #tpu.memory_space<hbm>>
      %dma_wait3A_127 = arith.constant 0 : i32
      %dma_wait3A_128 = tpu.memref_slice %arg4[%add3A_77, %dma_wait3A_127] : memref<102400x128xf32, #tpu.memory_space<hbm>> -> memref<320x128xf32, #tpu.memory_space<hbm>>
      tpu.wait_dma2 semaphore(%run_scoped3A : memref<!tpu.dma_semaphore, #tpu.memory_space<semaphore_mem>>) src(%arg7 : memref<320x128xf32, #tpu.memory_space<vmem>>) dst(%dma_wait3A_128 : memref<320x128xf32, #tpu.memory_space<hbm>>)
      tpu.yield
    }) : () -> ()
    %dma_start3A_78 = arith.constant 2240 : i32
    %dma_start3A_79 = tpu.memref_slice %arg5[%dma_start3A_78] : memref<3200xi32, #tpu.memory_space<vmem>> -> memref<320xi32, #tpu.memory_space<vmem>>
    %dma_start3A_80 = arith.constant 0 : i32
    %dma_start3A_81 = arith.constant 0 : i32
    %dma_start3A_82 = tpu.memref_slice %arg2[%dma_start3A_80, %dma_start3A_81] : memref<250000x128xf32, #tpu.memory_space<hbm>> -> memref<250000x128xf32, #tpu.memory_space<hbm>>
    tpu.enqueue_indirect_dma source(%dma_start3A_82 : memref<250000x128xf32, #tpu.memory_space<hbm>>) target(%arg7 : memref<320x128xf32, #tpu.memory_space<vmem>>) offsets(%dma_start3A_79 : memref<320xi32, #tpu.memory_space<vmem>>) semaphore(%arg9 : memref<!tpu.dma_semaphore, #tpu.memory_space<semaphore_mem>>)
    %dma_wait3A_83 = arith.constant 1920 : i32
    %dma_wait3A_84 = tpu.memref_slice %arg5[%dma_wait3A_83] : memref<3200xi32, #tpu.memory_space<vmem>> -> memref<320xi32, #tpu.memory_space<vmem>>
    %dma_wait3A_85 = arith.constant 0 : i32
    %dma_wait3A_86 = arith.constant 0 : i32
    %dma_wait3A_87 = tpu.memref_slice %arg2[%dma_wait3A_85, %dma_wait3A_86] : memref<250000x128xf32, #tpu.memory_space<hbm>> -> memref<250000x128xf32, #tpu.memory_space<hbm>>
    tpu.wait_indirect_dma semaphore(%arg8 : memref<!tpu.dma_semaphore, #tpu.memory_space<semaphore_mem>>) src(%dma_wait3A_87 : memref<250000x128xf32, #tpu.memory_space<hbm>>) dst(%arg6 : memref<320x128xf32, #tpu.memory_space<vmem>>)
    %add3A_88 = arith.constant 1920 : i32
    %add3A_89 = arith.addi %mul3A_2, %add3A_88 : i32
    "tpu.region"() ({
      %run_scoped3A = tpu.sem_alloc : memref<!tpu.dma_semaphore, #tpu.memory_space<semaphore_mem>>
      %dma_start3A_121 = arith.constant 0 : i32
      %dma_start3A_122 = tpu.memref_slice %arg4[%add3A_89, %dma_start3A_121] : memref<102400x128xf32, #tpu.memory_space<hbm>> -> memref<320x128xf32, #tpu.memory_space<hbm>>
      %dma_start3A_123 = arith.constant 0 : i32
      %dma_start3A_124 = tpu.memref_slice %arg4[%add3A_89, %dma_start3A_123] : memref<102400x128xf32, #tpu.memory_space<hbm>> -> memref<320x128xf32, #tpu.memory_space<hbm>>
      tpu.enqueue_dma source(%arg6 : memref<320x128xf32, #tpu.memory_space<vmem>>) target(%dma_start3A_124 : memref<320x128xf32, #tpu.memory_space<hbm>>) target_semaphore(%run_scoped3A : memref<!tpu.dma_semaphore, #tpu.memory_space<semaphore_mem>>)
      %dma_wait3A_125 = arith.constant 0 : i32
      %dma_wait3A_126 = tpu.memref_slice %arg4[%add3A_89, %dma_wait3A_125] : memref<102400x128xf32, #tpu.memory_space<hbm>> -> memref<320x128xf32, #tpu.memory_space<hbm>>
      %dma_wait3A_127 = arith.constant 0 : i32
      %dma_wait3A_128 = tpu.memref_slice %arg4[%add3A_89, %dma_wait3A_127] : memref<102400x128xf32, #tpu.memory_space<hbm>> -> memref<320x128xf32, #tpu.memory_space<hbm>>
      tpu.wait_dma2 semaphore(%run_scoped3A : memref<!tpu.dma_semaphore, #tpu.memory_space<semaphore_mem>>) src(%arg6 : memref<320x128xf32, #tpu.memory_space<vmem>>) dst(%dma_wait3A_128 : memref<320x128xf32, #tpu.memory_space<hbm>>)
      tpu.yield
    }) : () -> ()
    %dma_start3A_90 = arith.constant 2560 : i32
    %dma_start3A_91 = tpu.memref_slice %arg5[%dma_start3A_90] : memref<3200xi32, #tpu.memory_space<vmem>> -> memref<320xi32, #tpu.memory_space<vmem>>
    %dma_start3A_92 = arith.constant 0 : i32
    %dma_start3A_93 = arith.constant 0 : i32
    %dma_start3A_94 = tpu.memref_slice %arg2[%dma_start3A_92, %dma_start3A_93] : memref<250000x128xf32, #tpu.memory_space<hbm>> -> memref<250000x128xf32, #tpu.memory_space<hbm>>
    tpu.enqueue_indirect_dma source(%dma_start3A_94 : memref<250000x128xf32, #tpu.memory_space<hbm>>) target(%arg6 : memref<320x128xf32, #tpu.memory_space<vmem>>) offsets(%dma_start3A_91 : memref<320xi32, #tpu.memory_space<vmem>>) semaphore(%arg8 : memref<!tpu.dma_semaphore, #tpu.memory_space<semaphore_mem>>)
    %dma_wait3A_95 = arith.constant 2240 : i32
    %dma_wait3A_96 = tpu.memref_slice %arg5[%dma_wait3A_95] : memref<3200xi32, #tpu.memory_space<vmem>> -> memref<320xi32, #tpu.memory_space<vmem>>
    %dma_wait3A_97 = arith.constant 0 : i32
    %dma_wait3A_98 = arith.constant 0 : i32
    %dma_wait3A_99 = tpu.memref_slice %arg2[%dma_wait3A_97, %dma_wait3A_98] : memref<250000x128xf32, #tpu.memory_space<hbm>> -> memref<250000x128xf32, #tpu.memory_space<hbm>>
    tpu.wait_indirect_dma semaphore(%arg9 : memref<!tpu.dma_semaphore, #tpu.memory_space<semaphore_mem>>) src(%dma_wait3A_99 : memref<250000x128xf32, #tpu.memory_space<hbm>>) dst(%arg7 : memref<320x128xf32, #tpu.memory_space<vmem>>)
    %add3A_100 = arith.constant 2240 : i32
    %add3A_101 = arith.addi %mul3A_2, %add3A_100 : i32
    "tpu.region"() ({
      %run_scoped3A = tpu.sem_alloc : memref<!tpu.dma_semaphore, #tpu.memory_space<semaphore_mem>>
      %dma_start3A_121 = arith.constant 0 : i32
      %dma_start3A_122 = tpu.memref_slice %arg4[%add3A_101, %dma_start3A_121] : memref<102400x128xf32, #tpu.memory_space<hbm>> -> memref<320x128xf32, #tpu.memory_space<hbm>>
      %dma_start3A_123 = arith.constant 0 : i32
      %dma_start3A_124 = tpu.memref_slice %arg4[%add3A_101, %dma_start3A_123] : memref<102400x128xf32, #tpu.memory_space<hbm>> -> memref<320x128xf32, #tpu.memory_space<hbm>>
      tpu.enqueue_dma source(%arg7 : memref<320x128xf32, #tpu.memory_space<vmem>>) target(%dma_start3A_124 : memref<320x128xf32, #tpu.memory_space<hbm>>) target_semaphore(%run_scoped3A : memref<!tpu.dma_semaphore, #tpu.memory_space<semaphore_mem>>)
      %dma_wait3A_125 = arith.constant 0 : i32
      %dma_wait3A_126 = tpu.memref_slice %arg4[%add3A_101, %dma_wait3A_125] : memref<102400x128xf32, #tpu.memory_space<hbm>> -> memref<320x128xf32, #tpu.memory_space<hbm>>
      %dma_wait3A_127 = arith.constant 0 : i32
      %dma_wait3A_128 = tpu.memref_slice %arg4[%add3A_101, %dma_wait3A_127] : memref<102400x128xf32, #tpu.memory_space<hbm>> -> memref<320x128xf32, #tpu.memory_space<hbm>>
      tpu.wait_dma2 semaphore(%run_scoped3A : memref<!tpu.dma_semaphore, #tpu.memory_space<semaphore_mem>>) src(%arg7 : memref<320x128xf32, #tpu.memory_space<vmem>>) dst(%dma_wait3A_128 : memref<320x128xf32, #tpu.memory_space<hbm>>)
      tpu.yield
    }) : () -> ()
    %dma_start3A_102 = arith.constant 2880 : i32
    %dma_start3A_103 = tpu.memref_slice %arg5[%dma_start3A_102] : memref<3200xi32, #tpu.memory_space<vmem>> -> memref<320xi32, #tpu.memory_space<vmem>>
    %dma_start3A_104 = arith.constant 0 : i32
    %dma_start3A_105 = arith.constant 0 : i32
    %dma_start3A_106 = tpu.memref_slice %arg2[%dma_start3A_104, %dma_start3A_105] : memref<250000x128xf32, #tpu.memory_space<hbm>> -> memref<250000x128xf32, #tpu.memory_space<hbm>>
    tpu.enqueue_indirect_dma source(%dma_start3A_106 : memref<250000x128xf32, #tpu.memory_space<hbm>>) target(%arg7 : memref<320x128xf32, #tpu.memory_space<vmem>>) offsets(%dma_start3A_103 : memref<320xi32, #tpu.memory_space<vmem>>) semaphore(%arg9 : memref<!tpu.dma_semaphore, #tpu.memory_space<semaphore_mem>>)
    %dma_wait3A_107 = arith.constant 2560 : i32
    %dma_wait3A_108 = tpu.memref_slice %arg5[%dma_wait3A_107] : memref<3200xi32, #tpu.memory_space<vmem>> -> memref<320xi32, #tpu.memory_space<vmem>>
    %dma_wait3A_109 = arith.constant 0 : i32
    %dma_wait3A_110 = arith.constant 0 : i32
    %dma_wait3A_111 = tpu.memref_slice %arg2[%dma_wait3A_109, %dma_wait3A_110] : memref<250000x128xf32, #tpu.memory_space<hbm>> -> memref<250000x128xf32, #tpu.memory_space<hbm>>
    tpu.wait_indirect_dma semaphore(%arg8 : memref<!tpu.dma_semaphore, #tpu.memory_space<semaphore_mem>>) src(%dma_wait3A_111 : memref<250000x128xf32, #tpu.memory_space<hbm>>) dst(%arg6 : memref<320x128xf32, #tpu.memory_space<vmem>>)
    %add3A_112 = arith.constant 2560 : i32
    %add3A_113 = arith.addi %mul3A_2, %add3A_112 : i32
    "tpu.region"() ({
      %run_scoped3A = tpu.sem_alloc : memref<!tpu.dma_semaphore, #tpu.memory_space<semaphore_mem>>
      %dma_start3A_121 = arith.constant 0 : i32
      %dma_start3A_122 = tpu.memref_slice %arg4[%add3A_113, %dma_start3A_121] : memref<102400x128xf32, #tpu.memory_space<hbm>> -> memref<320x128xf32, #tpu.memory_space<hbm>>
      %dma_start3A_123 = arith.constant 0 : i32
      %dma_start3A_124 = tpu.memref_slice %arg4[%add3A_113, %dma_start3A_123] : memref<102400x128xf32, #tpu.memory_space<hbm>> -> memref<320x128xf32, #tpu.memory_space<hbm>>
      tpu.enqueue_dma source(%arg6 : memref<320x128xf32, #tpu.memory_space<vmem>>) target(%dma_start3A_124 : memref<320x128xf32, #tpu.memory_space<hbm>>) target_semaphore(%run_scoped3A : memref<!tpu.dma_semaphore, #tpu.memory_space<semaphore_mem>>)
      %dma_wait3A_125 = arith.constant 0 : i32
      %dma_wait3A_126 = tpu.memref_slice %arg4[%add3A_113, %dma_wait3A_125] : memref<102400x128xf32, #tpu.memory_space<hbm>> -> memref<320x128xf32, #tpu.memory_space<hbm>>
      %dma_wait3A_127 = arith.constant 0 : i32
      %dma_wait3A_128 = tpu.memref_slice %arg4[%add3A_113, %dma_wait3A_127] : memref<102400x128xf32, #tpu.memory_space<hbm>> -> memref<320x128xf32, #tpu.memory_space<hbm>>
      tpu.wait_dma2 semaphore(%run_scoped3A : memref<!tpu.dma_semaphore, #tpu.memory_space<semaphore_mem>>) src(%arg6 : memref<320x128xf32, #tpu.memory_space<vmem>>) dst(%dma_wait3A_128 : memref<320x128xf32, #tpu.memory_space<hbm>>)
      tpu.yield
    }) : () -> ()
    %dma_wait3A_114 = arith.constant 2880 : i32
    %dma_wait3A_115 = tpu.memref_slice %arg5[%dma_wait3A_114] : memref<3200xi32, #tpu.memory_space<vmem>> -> memref<320xi32, #tpu.memory_space<vmem>>
    %dma_wait3A_116 = arith.constant 0 : i32
    %dma_wait3A_117 = arith.constant 0 : i32
    %dma_wait3A_118 = tpu.memref_slice %arg2[%dma_wait3A_116, %dma_wait3A_117] : memref<250000x128xf32, #tpu.memory_space<hbm>> -> memref<250000x128xf32, #tpu.memory_space<hbm>>
    tpu.wait_indirect_dma semaphore(%arg9 : memref<!tpu.dma_semaphore, #tpu.memory_space<semaphore_mem>>) src(%dma_wait3A_118 : memref<250000x128xf32, #tpu.memory_space<hbm>>) dst(%arg7 : memref<320x128xf32, #tpu.memory_space<vmem>>)
    %add3A_119 = arith.constant 2880 : i32
    %add3A_120 = arith.addi %mul3A_2, %add3A_119 : i32
    "tpu.region"() ({
      %run_scoped3A = tpu.sem_alloc : memref<!tpu.dma_semaphore, #tpu.memory_space<semaphore_mem>>
      %dma_start3A_121 = arith.constant 0 : i32
      %dma_start3A_122 = tpu.memref_slice %arg4[%add3A_120, %dma_start3A_121] : memref<102400x128xf32, #tpu.memory_space<hbm>> -> memref<320x128xf32, #tpu.memory_space<hbm>>
      %dma_start3A_123 = arith.constant 0 : i32
      %dma_start3A_124 = tpu.memref_slice %arg4[%add3A_120, %dma_start3A_123] : memref<102400x128xf32, #tpu.memory_space<hbm>> -> memref<320x128xf32, #tpu.memory_space<hbm>>
      tpu.enqueue_dma source(%arg7 : memref<320x128xf32, #tpu.memory_space<vmem>>) target(%dma_start3A_124 : memref<320x128xf32, #tpu.memory_space<hbm>>) target_semaphore(%run_scoped3A : memref<!tpu.dma_semaphore, #tpu.memory_space<semaphore_mem>>)
      %dma_wait3A_125 = arith.constant 0 : i32
      %dma_wait3A_126 = tpu.memref_slice %arg4[%add3A_120, %dma_wait3A_125] : memref<102400x128xf32, #tpu.memory_space<hbm>> -> memref<320x128xf32, #tpu.memory_space<hbm>>
      %dma_wait3A_127 = arith.constant 0 : i32
      %dma_wait3A_128 = tpu.memref_slice %arg4[%add3A_120, %dma_wait3A_127] : memref<102400x128xf32, #tpu.memory_space<hbm>> -> memref<320x128xf32, #tpu.memory_space<hbm>>
      tpu.wait_dma2 semaphore(%run_scoped3A : memref<!tpu.dma_semaphore, #tpu.memory_space<semaphore_mem>>) src(%arg7 : memref<320x128xf32, #tpu.memory_space<vmem>>) dst(%dma_wait3A_128 : memref<320x128xf32, #tpu.memory_space<hbm>>)
      tpu.yield
    }) : () -> ()
    return
  }
}

module attributes {stable_mosaic.version = 14 : i64} {
  func.func @_repack_body(%arg0: i32, %arg1: memref<32x12800xf32, #tpu.memory_space<vmem>>, %arg2: memref<3200x128xf32, #tpu.memory_space<vmem>>, %arg3: memref<12800x32xf32, #tpu.memory_space<vmem>>) attributes {dimension_semantics = [#tpu.dimension_semantics<arbitrary>], iteration_bounds = array<i64: 79>, scalar_prefetch = 0 : i64, scratch_operands = 1 : i64, tpu.core_type = #tpu.core_type<tc>, window_params = [{transform_indices = @transform_0, window_bounds = array<i64: 32, 12800>}, {transform_indices = @transform_1, window_bounds = array<i64: 3200, 128>}]} {
    %iota3A = tpu.iota {dimensions = array<i32: 0>} : vector<32x32xi32>
    %iota3A_0 = tpu.iota {dimensions = array<i32: 1>} : vector<32x32xi32>
    %add3A = arith.constant 0 : i32
    %add3A_1 = vector.broadcast %add3A : i32 to vector<32x32xi32>
    %add3A_2 = arith.addi %iota3A, %add3A_1 : vector<32x32xi32>
    %eq3A = arith.cmpi eq, %add3A_2, %iota3A_0 : vector<32x32xi32>
    %convert_element_type3A = arith.extui %eq3A : vector<32x32xi1> to vector<32x32xi32>
    %convert_element_type3A_3 = arith.sitofp %convert_element_type3A : vector<32x32xi32> to vector<32x32xf32>
    %get3A = arith.constant 0 : index
    %get3A_4 = arith.constant 0 : index
    %get3A_5 = vector.load %arg1[%get3A, %get3A_4] : memref<32x12800xf32, #tpu.memory_space<vmem>>, vector<32x12800xf32>
    %dot_general3A = arith.constant dense<0.000000e+00> : vector<12800x32xf32>
    %dot_general3A_6 = tpu.matmul %get3A_5, %convert_element_type3A_3, %dot_general3A {dimension_numbers = #tpu.dot_dimension_numbers<[0], [0], [1], [1], [0, 1, 1, 1], [], []>, transpose_lhs_hint = false} : vector<32x12800xf32>, vector<32x32xf32>, vector<12800x32xf32> -> vector<12800x32xf32>
    %swap3A = arith.constant 0 : index
    %swap3A_7 = arith.constant 0 : index
    %swap3A_8 = vector.load %arg3[%swap3A, %swap3A_7] : memref<12800x32xf32, #tpu.memory_space<vmem>>, vector<12800x32xf32>
    tpu.vector_store %arg3[%swap3A, %swap3A_7], %dot_general3A_6 {strides = array<i32>} : memref<12800x32xf32, #tpu.memory_space<vmem>>, vector<12800x32xf32>,
    %get3A_9 = arith.constant 0 : index
    %get3A_10 = arith.constant 0 : index
    %get3A_11 = tpu.strided_load %arg3[%get3A_9, %get3A_10] {strides = array<i32: 4, 1>} : memref<12800x32xf32, #tpu.memory_space<vmem>>, vector<3200x32xf32>
    %get3A_12 = arith.constant 1 : index
    %get3A_13 = arith.constant 0 : index
    %get3A_14 = tpu.strided_load %arg3[%get3A_12, %get3A_13] {strides = array<i32: 4, 1>} : memref<12800x32xf32, #tpu.memory_space<vmem>>, vector<3200x32xf32>
    %get3A_15 = arith.constant 2 : index
    %get3A_16 = arith.constant 0 : index
    %get3A_17 = tpu.strided_load %arg3[%get3A_15, %get3A_16] {strides = array<i32: 4, 1>} : memref<12800x32xf32, #tpu.memory_space<vmem>>, vector<3200x32xf32>
    %get3A_18 = arith.constant 3 : index
    %get3A_19 = arith.constant 0 : index
    %get3A_20 = tpu.strided_load %arg3[%get3A_18, %get3A_19] {strides = array<i32: 4, 1>} : memref<12800x32xf32, #tpu.memory_space<vmem>>, vector<3200x32xf32>
    %concatenate3A = tpu.concatenate %get3A_11, %get3A_14, %get3A_17, %get3A_20 in 1 : vector<3200x32xf32>, vector<3200x32xf32>, vector<3200x32xf32>, vector<3200x32xf32> -> vector<3200x128xf32>
    %swap3A_21 = arith.constant 0 : index
    %swap3A_22 = arith.constant 0 : index
    %swap3A_23 = vector.load %arg2[%swap3A_21, %swap3A_22] : memref<3200x128xf32, #tpu.memory_space<vmem>>, vector<3200x128xf32>
    tpu.vector_store %arg2[%swap3A_21, %swap3A_22], %concatenate3A {strides = array<i32>} : memref<3200x128xf32, #tpu.memory_space<vmem>>, vector<3200x128xf32>,
    return
  }
  func.func @transform_0(%arg0: i32) -> (i32, i32) {
    %c0_i32 = arith.constant 0 : i32
    %c0_i32_0 = arith.constant 0 : i32
    return %c0_i32, %arg0 : i32, i32
  }
  func.func @transform_1(%arg0: i32) -> (i32, i32) {
    %c0_i32 = arith.constant 0 : i32
    %c0_i32_0 = arith.constant 0 : i32
    return %arg0, %c0_i32 : i32, i32
  }
}

module attributes {stable_mosaic.version = 14 : i64} {
  func.func @_a_body(%arg0: i32, %arg1: memref<2000x128xf32, #tpu.memory_space<vmem>>, %arg2: memref<10000x128xf32, #tpu.memory_space<vmem>>, %arg3: memref<2000x128xf32, #tpu.memory_space<vmem>>, %arg4: memref<2000x8xf32, #tpu.memory_space<vmem>>, %arg5: memref<10000x128xf32, #tpu.memory_space<vmem>>, %arg6: memref<128x32xf32, #tpu.memory_space<vmem>>, %arg7: memref<128x32xf32, #tpu.memory_space<vmem>>, %arg8: memref<128x32xf32, #tpu.memory_space<vmem>>, %arg9: memref<1x32xf32, #tpu.memory_space<vmem>>, %arg10: memref<32x32xf32, #tpu.memory_space<vmem>>, %arg11: memref<32x32xf32, #tpu.memory_space<vmem>>, %arg12: memref<128x32xf32, #tpu.memory_space<vmem>>, %arg13: memref<1x32xf32, #tpu.memory_space<vmem>>, %arg14: memref<200x32xf32, #tpu.memory_space<vmem>>, %arg15: memref<200x32xf32, #tpu.memory_space<vmem>>, %arg16: memref<200x32xf32, #tpu.memory_space<vmem>>, %arg17: memref<200x32xf32, #tpu.memory_space<vmem>>) attributes {dimension_semantics = [#tpu.dimension_semantics<arbitrary>], iteration_bounds = array<i64: 50>, scalar_prefetch = 0 : i64, scratch_operands = 0 : i64, tpu.core_type = #tpu.core_type<tc>, window_params = [{transform_indices = @transform_0, window_bounds = array<i64: 2000, 128>}, {transform_indices = @transform_1, window_bounds = array<i64: 10000, 128>}, {transform_indices = @transform_2, window_bounds = array<i64: 2000, 128>}, {transform_indices = @transform_3, window_bounds = array<i64: 2000, 8>}, {transform_indices = @transform_4, window_bounds = array<i64: 10000, 128>}, {pipeline_mode = #tpu.pipeline_mode<synchronous>, transform_indices = @transform_5, window_bounds = array<i64: 128, 32>}, {pipeline_mode = #tpu.pipeline_mode<synchronous>, transform_indices = @transform_6, window_bounds = array<i64: 128, 32>}, {pipeline_mode = #tpu.pipeline_mode<synchronous>, transform_indices = @transform_7, window_bounds = array<i64: 128, 32>}, {pipeline_mode = #tpu.pipeline_mode<synchronous>, transform_indices = @transform_8, window_bounds = array<i64: 1, 32>}, {pipeline_mode = #tpu.pipeline_mode<synchronous>, transform_indices = @transform_9, window_bounds = array<i64: 32, 32>}, {pipeline_mode = #tpu.pipeline_mode<synchronous>, transform_indices = @transform_10, window_bounds = array<i64: 32, 32>}, {pipeline_mode = #tpu.pipeline_mode<synchronous>, transform_indices = @transform_11, window_bounds = array<i64: 128, 32>}, {pipeline_mode = #tpu.pipeline_mode<synchronous>, transform_indices = @transform_12, window_bounds = array<i64: 1, 32>}, {transform_indices = @transform_13, window_bounds = array<i64: 200, 32>}, {transform_indices = @transform_14, window_bounds = array<i64: 200, 32>}, {transform_indices = @transform_15, window_bounds = array<i64: 200, 32>}, {transform_indices = @transform_16, window_bounds = array<i64: 200, 32>}]} {
    %iota3A = tpu.iota {dimensions = array<i32: 0>} : vector<200x2000xi32>
    %iota3A_0 = tpu.iota {dimensions = array<i32: 1>} : vector<200x2000xi32>
    %jit3A = arith.constant 10 : i32
    %div3A = vector.broadcast %jit3A : i32 to vector<200x2000xi32>
    %div3A_1 = arith.divsi %iota3A_0, %div3A : vector<200x2000xi32>
    %sign3A = arith.constant 0 : i32
    %sign3A_2 = vector.broadcast %sign3A : i32 to vector<200x2000xi32>
    %sign3A_3 = arith.cmpi sgt, %iota3A_0, %sign3A_2 : vector<200x2000xi32>
    %sign3A_4 = arith.extui %sign3A_3 : vector<200x2000xi1> to vector<200x2000xi32>
    %sign3A_5 = arith.constant 0 : i32
    %sign3A_6 = vector.broadcast %sign3A_5 : i32 to vector<200x2000xi32>
    %sign3A_7 = arith.cmpi slt, %iota3A_0, %sign3A_6 : vector<200x2000xi32>
    %sign3A_8 = arith.extui %sign3A_7 : vector<200x2000xi1> to vector<200x2000xi32>
    %sign3A_9 = arith.subi %sign3A_4, %sign3A_8 : vector<200x2000xi32>
    %sign3A_10 = arith.constant 0 : i32
    %sign3A_11 = arith.cmpi sgt, %jit3A, %sign3A_10 : i32
    %sign3A_12 = arith.extui %sign3A_11 : i1 to i32
    %sign3A_13 = arith.constant 0 : i32
    %sign3A_14 = arith.cmpi slt, %jit3A, %sign3A_13 : i32
    %sign3A_15 = arith.extui %sign3A_14 : i1 to i32
    %sign3A_16 = arith.subi %sign3A_12, %sign3A_15 : i32
    %ne3A = vector.broadcast %sign3A_16 : i32 to vector<200x2000xi32>
    %ne3A_17 = arith.cmpi ne, %sign3A_9, %ne3A : vector<200x2000xi32>
    %rem3A = vector.broadcast %jit3A : i32 to vector<200x2000xi32>
    %rem3A_18 = arith.remsi %iota3A_0, %rem3A : vector<200x2000xi32>
    %ne3A_19 = arith.constant 0 : i32
    %ne3A_20 = vector.broadcast %ne3A_19 : i32 to vector<200x2000xi32>
    %ne3A_21 = arith.cmpi ne, %rem3A_18, %ne3A_20 : vector<200x2000xi32>
    %and3A = arith.andi %ne3A_17, %ne3A_21 : vector<200x2000xi1>
    %sub3A = arith.constant 1 : i32
    %sub3A_22 = vector.broadcast %sub3A : i32 to vector<200x2000xi32>
    %sub3A_23 = arith.subi %div3A_1, %sub3A_22 : vector<200x2000xi32>
    %select_n3A = arith.select %and3A, %sub3A_23, %div3A_1 : vector<200x2000xi1>, vector<200x2000xi32>
    %eq3A = arith.cmpi eq, %select_n3A, %iota3A : vector<200x2000xi32>
    %jit3A_24 = arith.constant 1.000000e-01 : f32
    %jit3A_25 = arith.constant 0.000000e+00 : f32
    %broadcast_in_dim3A = vector.broadcast %jit3A_24 : f32 to vector<200x2000xf32>
    %broadcast_in_dim3A_26 = vector.broadcast %jit3A_25 : f32 to vector<200x2000xf32>
    %select_n3A_27 = arith.select %eq3A, %broadcast_in_dim3A, %broadcast_in_dim3A_26 : vector<200x2000xi1>, vector<200x2000xf32>
    %get3A = arith.constant 0 : index
    %get3A_28 = arith.constant 0 : index
    %get3A_29 = vector.load %arg1[%get3A, %get3A_28] : memref<2000x128xf32, #tpu.memory_space<vmem>>, vector<2000x128xf32>
    %get3A_30 = arith.constant 0 : index
    %get3A_31 = arith.constant 0 : index
    %get3A_32 = tpu.strided_load %arg2[%get3A_30, %get3A_31] {strides = array<i32: 5, 1>} : memref<10000x128xf32, #tpu.memory_space<vmem>>, vector<2000x128xf32>
    %get3A_33 = arith.constant 1 : index
    %get3A_34 = arith.constant 0 : index
    %get3A_35 = tpu.strided_load %arg2[%get3A_33, %get3A_34] {strides = array<i32: 5, 1>} : memref<10000x128xf32, #tpu.memory_space<vmem>>, vector<2000x128xf32>
    %add3A = arith.addf %get3A_32, %get3A_35 : vector<2000x128xf32>
    %get3A_36 = arith.constant 2 : index
    %get3A_37 = arith.constant 0 : index
    %get3A_38 = tpu.strided_load %arg2[%get3A_36, %get3A_37] {strides = array<i32: 5, 1>} : memref<10000x128xf32, #tpu.memory_space<vmem>>, vector<2000x128xf32>
    %add3A_39 = arith.addf %add3A, %get3A_38 : vector<2000x128xf32>
    %get3A_40 = arith.constant 3 : index
    %get3A_41 = arith.constant 0 : index
    %get3A_42 = tpu.strided_load %arg2[%get3A_40, %get3A_41] {strides = array<i32: 5, 1>} : memref<10000x128xf32, #tpu.memory_space<vmem>>, vector<2000x128xf32>
    %add3A_43 = arith.addf %add3A_39, %get3A_42 : vector<2000x128xf32>
    %get3A_44 = arith.constant 4 : index
    %get3A_45 = arith.constant 0 : index
    %get3A_46 = tpu.strided_load %arg2[%get3A_44, %get3A_45] {strides = array<i32: 5, 1>} : memref<10000x128xf32, #tpu.memory_space<vmem>>, vector<2000x128xf32>
    %add3A_47 = arith.addf %add3A_43, %get3A_46 : vector<2000x128xf32>
    %get3A_48 = arith.constant 0 : index
    %get3A_49 = arith.constant 0 : index
    %get3A_50 = vector.load %arg8[%get3A_48, %get3A_49] : memref<128x32xf32, #tpu.memory_space<vmem>>, vector<128x32xf32>
    %dot_general3A = arith.constant dense<0.000000e+00> : vector<2000x32xf32>
    %dot_general3A_51 = tpu.matmul %add3A_47, %get3A_50, %dot_general3A {dimension_numbers = #tpu.dot_dimension_numbers<[1], [0], [0], [1], [0, 0, 1, 1], [], []>, transpose_lhs_hint = false} : vector<2000x128xf32>, vector<128x32xf32>, vector<2000x32xf32> -> vector<2000x32xf32>
    %get3A_52 = arith.constant 0 : index
    %get3A_53 = arith.constant 0 : index
    %get3A_54 = vector.load %arg6[%get3A_52, %get3A_53] : memref<128x32xf32, #tpu.memory_space<vmem>>, vector<128x32xf32>
    %dot_general3A_55 = arith.constant dense<0.000000e+00> : vector<2000x32xf32>
    %dot_general3A_56 = tpu.matmul %get3A_29, %get3A_54, %dot_general3A_55 {dimension_numbers = #tpu.dot_dimension_numbers<[1], [0], [0], [1], [0, 0, 1, 1], [], []>, transpose_lhs_hint = false} : vector<2000x128xf32>, vector<128x32xf32>, vector<2000x32xf32> -> vector<2000x32xf32>
    %add3A_57 = arith.addf %dot_general3A_56, %dot_general3A_51 : vector<2000x32xf32>
    %get3A_58 = arith.constant 0 : index
    %get3A_59 = arith.constant 0 : index
    %get3A_60 = vector.load %arg9[%get3A_58, %get3A_59] : memref<1x32xf32, #tpu.memory_space<vmem>>, vector<1x32xf32>
    %add3A_61 = vector.broadcast %get3A_60 : vector<1x32xf32> to vector<2000x32xf32>
    %add3A_62 = arith.addf %add3A_57, %add3A_61 : vector<2000x32xf32>
    %max3A = arith.constant 0.000000e+00 : f32
    %max3A_63 = vector.broadcast %max3A : f32 to vector<2000x32xf32>
    %max3A_64 = arith.maximumf %add3A_62, %max3A_63 : vector<2000x32xf32>
    %dot_general3A_65 = arith.constant dense<0.000000e+00> : vector<200x32xf32>
    %dot_general3A_66 = tpu.matmul %select_n3A_27, %max3A_64, %dot_general3A_65 {dimension_numbers = #tpu.dot_dimension_numbers<[1], [0], [0], [1], [0, 0, 1, 1], [], []>, transpose_lhs_hint = false} : vector<200x2000xf32>, vector<2000x32xf32>, vector<200x32xf32> -> vector<200x32xf32>
    %swap3A = arith.constant 0 : index
    %swap3A_67 = arith.constant 0 : index
    %swap3A_68 = vector.load %arg15[%swap3A, %swap3A_67] : memref<200x32xf32, #tpu.memory_space<vmem>>, vector<200x32xf32>
    tpu.vector_store %arg15[%swap3A, %swap3A_67], %dot_general3A_66 {strides = array<i32>} : memref<200x32xf32, #tpu.memory_space<vmem>>, vector<200x32xf32>,
    %get3A_69 = arith.constant 0 : index
    %get3A_70 = arith.constant 0 : index
    %get3A_71 = vector.load %arg7[%get3A_69, %get3A_70] : memref<128x32xf32, #tpu.memory_space<vmem>>, vector<128x32xf32>
    %dot_general3A_72 = arith.constant dense<0.000000e+00> : vector<2000x32xf32>
    %dot_general3A_73 = tpu.matmul %get3A_29, %get3A_71, %dot_general3A_72 {dimension_numbers = #tpu.dot_dimension_numbers<[1], [0], [0], [1], [0, 0, 1, 1], [], []>, transpose_lhs_hint = false} : vector<2000x128xf32>, vector<128x32xf32>, vector<2000x32xf32> -> vector<2000x32xf32>
    %dot_general3A_74 = arith.constant dense<0.000000e+00> : vector<200x32xf32>
    %dot_general3A_75 = tpu.matmul %select_n3A_27, %dot_general3A_73, %dot_general3A_74 {dimension_numbers = #tpu.dot_dimension_numbers<[1], [0], [0], [1], [0, 0, 1, 1], [], []>, transpose_lhs_hint = false} : vector<200x2000xf32>, vector<2000x32xf32>, vector<200x32xf32> -> vector<200x32xf32>
    %swap3A_76 = arith.constant 0 : index
    %swap3A_77 = arith.constant 0 : index
    %swap3A_78 = vector.load %arg14[%swap3A_76, %swap3A_77] : memref<200x32xf32, #tpu.memory_space<vmem>>, vector<200x32xf32>
    tpu.vector_store %arg14[%swap3A_76, %swap3A_77], %dot_general3A_75 {strides = array<i32>} : memref<200x32xf32, #tpu.memory_space<vmem>>, vector<200x32xf32>,
    %get3A_79 = arith.constant 0 : index
    %get3A_80 = arith.constant 0 : index
    %get3A_81 = vector.load %arg3[%get3A_79, %get3A_80] : memref<2000x128xf32, #tpu.memory_space<vmem>>, vector<2000x128xf32>
    %get3A_82 = arith.constant 0 : index
    %get3A_83 = arith.constant 0 : index
    %get3A_84 = vector.load %arg4[%get3A_82, %get3A_83] : memref<2000x8xf32, #tpu.memory_space<vmem>>, vector<2000x8xf32>
    %slice3A = vector.extract_strided_slice %get3A_81 {offsets = [0, 0], sizes = [2000, 32], strides = [1, 1]} : vector<2000x128xf32> to vector<2000x32xf32>
    %slice3A_85 = vector.extract_strided_slice %get3A_84 {offsets = [0, 0], sizes = [2000, 1], strides = [1, 1]} : vector<2000x8xf32> to vector<2000x1xf32>
    %mul3A = vector.broadcast %slice3A_85 : vector<2000x1xf32> to vector<2000x32xf32>
    %mul3A_86 = arith.mulf %slice3A, %mul3A : vector<2000x32xf32>
    %slice3A_87 = vector.extract_strided_slice %get3A_81 {offsets = [0, 32], sizes = [2000, 32], strides = [1, 1]} : vector<2000x128xf32> to vector<2000x32xf32>
    %slice3A_88 = vector.extract_strided_slice %get3A_84 {offsets = [0, 1], sizes = [2000, 1], strides = [1, 1]} : vector<2000x8xf32> to vector<2000x1xf32>
    %mul3A_89 = vector.broadcast %slice3A_88 : vector<2000x1xf32> to vector<2000x32xf32>
    %mul3A_90 = arith.mulf %slice3A_87, %mul3A_89 : vector<2000x32xf32>
    %add3A_91 = arith.addf %mul3A_86, %mul3A_90 : vector<2000x32xf32>
    %slice3A_92 = vector.extract_strided_slice %get3A_81 {offsets = [0, 64], sizes = [2000, 32], strides = [1, 1]} : vector<2000x128xf32> to vector<2000x32xf32>
    %slice3A_93 = vector.extract_strided_slice %get3A_84 {offsets = [0, 2], sizes = [2000, 1], strides = [1, 1]} : vector<2000x8xf32> to vector<2000x1xf32>
    %mul3A_94 = vector.broadcast %slice3A_93 : vector<2000x1xf32> to vector<2000x32xf32>
    %mul3A_95 = arith.mulf %slice3A_92, %mul3A_94 : vector<2000x32xf32>
    %add3A_96 = arith.addf %add3A_91, %mul3A_95 : vector<2000x32xf32>
    %slice3A_97 = vector.extract_strided_slice %get3A_81 {offsets = [0, 96], sizes = [2000, 32], strides = [1, 1]} : vector<2000x128xf32> to vector<2000x32xf32>
    %slice3A_98 = vector.extract_strided_slice %get3A_84 {offsets = [0, 3], sizes = [2000, 1], strides = [1, 1]} : vector<2000x8xf32> to vector<2000x1xf32>
    %mul3A_99 = vector.broadcast %slice3A_98 : vector<2000x1xf32> to vector<2000x32xf32>
    %mul3A_100 = arith.mulf %slice3A_97, %mul3A_99 : vector<2000x32xf32>
    %add3A_101 = arith.addf %add3A_96, %mul3A_100 : vector<2000x32xf32>
    %get3A_102 = arith.constant 0 : index
    %get3A_103 = arith.constant 0 : index
    %get3A_104 = tpu.strided_load %arg5[%get3A_102, %get3A_103] {strides = array<i32: 5, 1>} : memref<10000x128xf32, #tpu.memory_space<vmem>>, vector<2000x128xf32>
    %get3A_105 = arith.constant 1 : index
    %get3A_106 = arith.constant 0 : index
    %get3A_107 = tpu.strided_load %arg5[%get3A_105, %get3A_106] {strides = array<i32: 5, 1>} : memref<10000x128xf32, #tpu.memory_space<vmem>>, vector<2000x128xf32>
    %add3A_108 = arith.addf %get3A_104, %get3A_107 : vector<2000x128xf32>
    %get3A_109 = arith.constant 2 : index
    %get3A_110 = arith.constant 0 : index
    %get3A_111 = tpu.strided_load %arg5[%get3A_109, %get3A_110] {strides = array<i32: 5, 1>} : memref<10000x128xf32, #tpu.memory_space<vmem>>, vector<2000x128xf32>
    %add3A_112 = arith.addf %add3A_108, %get3A_111 : vector<2000x128xf32>
    %get3A_113 = arith.constant 3 : index
    %get3A_114 = arith.constant 0 : index
    %get3A_115 = tpu.strided_load %arg5[%get3A_113, %get3A_114] {strides = array<i32: 5, 1>} : memref<10000x128xf32, #tpu.memory_space<vmem>>, vector<2000x128xf32>
    %add3A_116 = arith.addf %add3A_112, %get3A_115 : vector<2000x128xf32>
    %get3A_117 = arith.constant 4 : index
    %get3A_118 = arith.constant 0 : index
    %get3A_119 = tpu.strided_load %arg5[%get3A_117, %get3A_118] {strides = array<i32: 5, 1>} : memref<10000x128xf32, #tpu.memory_space<vmem>>, vector<2000x128xf32>
    %add3A_120 = arith.addf %add3A_116, %get3A_119 : vector<2000x128xf32>
    %get3A_121 = arith.constant 0 : index
    %get3A_122 = arith.constant 0 : index
    %get3A_123 = vector.load %arg12[%get3A_121, %get3A_122] : memref<128x32xf32, #tpu.memory_space<vmem>>, vector<128x32xf32>
    %dot_general3A_124 = arith.constant dense<0.000000e+00> : vector<2000x32xf32>
    %dot_general3A_125 = tpu.matmul %add3A_120, %get3A_123, %dot_general3A_124 {dimension_numbers = #tpu.dot_dimension_numbers<[1], [0], [0], [1], [0, 0, 1, 1], [], []>, transpose_lhs_hint = false} : vector<2000x128xf32>, vector<128x32xf32>, vector<2000x32xf32> -> vector<2000x32xf32>
    %get3A_126 = arith.constant 0 : index
    %get3A_127 = arith.constant 0 : index
    %get3A_128 = vector.load %arg10[%get3A_126, %get3A_127] : memref<32x32xf32, #tpu.memory_space<vmem>>, vector<32x32xf32>
    %dot_general3A_129 = arith.constant dense<0.000000e+00> : vector<2000x32xf32>
    %dot_general3A_130 = tpu.matmul %add3A_101, %get3A_128, %dot_general3A_129 {dimension_numbers = #tpu.dot_dimension_numbers<[1], [0], [0], [1], [0, 0, 1, 1], [], []>, transpose_lhs_hint = false} : vector<2000x32xf32>, vector<32x32xf32>, vector<2000x32xf32> -> vector<2000x32xf32>
    %add3A_131 = arith.addf %dot_general3A_130, %dot_general3A_125 : vector<2000x32xf32>
    %get3A_132 = arith.constant 0 : index
    %get3A_133 = arith.constant 0 : index
    %get3A_134 = vector.load %arg13[%get3A_132, %get3A_133] : memref<1x32xf32, #tpu.memory_space<vmem>>, vector<1x32xf32>
    %add3A_135 = vector.broadcast %get3A_134 : vector<1x32xf32> to vector<2000x32xf32>
    %add3A_136 = arith.addf %add3A_131, %add3A_135 : vector<2000x32xf32>
    %max3A_137 = arith.constant 0.000000e+00 : f32
    %max3A_138 = vector.broadcast %max3A_137 : f32 to vector<2000x32xf32>
    %max3A_139 = arith.maximumf %add3A_136, %max3A_138 : vector<2000x32xf32>
    %dot_general3A_140 = arith.constant dense<0.000000e+00> : vector<200x32xf32>
    %dot_general3A_141 = tpu.matmul %select_n3A_27, %max3A_139, %dot_general3A_140 {dimension_numbers = #tpu.dot_dimension_numbers<[1], [0], [0], [1], [0, 0, 1, 1], [], []>, transpose_lhs_hint = false} : vector<200x2000xf32>, vector<2000x32xf32>, vector<200x32xf32> -> vector<200x32xf32>
    %swap3A_142 = arith.constant 0 : index
    %swap3A_143 = arith.constant 0 : index
    %swap3A_144 = vector.load %arg17[%swap3A_142, %swap3A_143] : memref<200x32xf32, #tpu.memory_space<vmem>>, vector<200x32xf32>
    tpu.vector_store %arg17[%swap3A_142, %swap3A_143], %dot_general3A_141 {strides = array<i32>} : memref<200x32xf32, #tpu.memory_space<vmem>>, vector<200x32xf32>,
    %dot_general3A_145 = arith.constant dense<0.000000e+00> : vector<200x32xf32>
    %dot_general3A_146 = tpu.matmul %select_n3A_27, %add3A_101, %dot_general3A_145 {dimension_numbers = #tpu.dot_dimension_numbers<[1], [0], [0], [1], [0, 0, 1, 1], [], []>, transpose_lhs_hint = false} : vector<200x2000xf32>, vector<2000x32xf32>, vector<200x32xf32> -> vector<200x32xf32>
    %get3A_147 = arith.constant 0 : index
    %get3A_148 = arith.constant 0 : index
    %get3A_149 = vector.load %arg11[%get3A_147, %get3A_148] : memref<32x32xf32, #tpu.memory_space<vmem>>, vector<32x32xf32>
    %dot_general3A_150 = arith.constant dense<0.000000e+00> : vector<200x32xf32>
    %dot_general3A_151 = tpu.matmul %dot_general3A_146, %get3A_149, %dot_general3A_150 {dimension_numbers = #tpu.dot_dimension_numbers<[1], [0], [0], [1], [0, 0, 1, 1], [], []>, transpose_lhs_hint = false} : vector<200x32xf32>, vector<32x32xf32>, vector<200x32xf32> -> vector<200x32xf32>
    %swap3A_152 = arith.constant 0 : index
    %swap3A_153 = arith.constant 0 : index
    %swap3A_154 = vector.load %arg16[%swap3A_152, %swap3A_153] : memref<200x32xf32, #tpu.memory_space<vmem>>, vector<200x32xf32>
    tpu.vector_store %arg16[%swap3A_152, %swap3A_153], %dot_general3A_151 {strides = array<i32>} : memref<200x32xf32, #tpu.memory_space<vmem>>, vector<200x32xf32>,
    return
  }
  func.func @transform_0(%arg0: i32) -> (i32, i32) {
    %c0_i32 = arith.constant 0 : i32
    %c0_i32_0 = arith.constant 0 : i32
    return %arg0, %c0_i32 : i32, i32
  }
  func.func @transform_1(%arg0: i32) -> (i32, i32) {
    %c0_i32 = arith.constant 0 : i32
    %c0_i32_0 = arith.constant 0 : i32
    return %arg0, %c0_i32 : i32, i32
  }
  func.func @transform_2(%arg0: i32) -> (i32, i32) {
    %c0_i32 = arith.constant 0 : i32
    %c0_i32_0 = arith.constant 0 : i32
    return %arg0, %c0_i32 : i32, i32
  }
  func.func @transform_3(%arg0: i32) -> (i32, i32) {
    %c0_i32 = arith.constant 0 : i32
    %c0_i32_0 = arith.constant 0 : i32
    return %arg0, %c0_i32 : i32, i32
  }
  func.func @transform_4(%arg0: i32) -> (i32, i32) {
    %c0_i32 = arith.constant 0 : i32
    %c0_i32_0 = arith.constant 0 : i32
    return %arg0, %c0_i32 : i32, i32
  }
  func.func @transform_5(%arg0: i32) -> (i32, i32) {
    %c0_i32 = arith.constant 0 : i32
    %c0_i32_0 = arith.constant 0 : i32
    %c0_i32_1 = arith.constant 0 : i32
    return %c0_i32, %c0_i32_0 : i32, i32
  }
  func.func @transform_6(%arg0: i32) -> (i32, i32) {
    %c0_i32 = arith.constant 0 : i32
    %c0_i32_0 = arith.constant 0 : i32
    %c0_i32_1 = arith.constant 0 : i32
    return %c0_i32, %c0_i32_0 : i32, i32
  }
  func.func @transform_7(%arg0: i32) -> (i32, i32) {
    %c0_i32 = arith.constant 0 : i32
    %c0_i32_0 = arith.constant 0 : i32
    %c0_i32_1 = arith.constant 0 : i32
    return %c0_i32, %c0_i32_0 : i32, i32
  }
  func.func @transform_8(%arg0: i32) -> (i32, i32) {
    %c0_i32 = arith.constant 0 : i32
    %c0_i32_0 = arith.constant 0 : i32
    %c0_i32_1 = arith.constant 0 : i32
    return %c0_i32, %c0_i32_0 : i32, i32
  }
  func.func @transform_9(%arg0: i32) -> (i32, i32) {
    %c0_i32 = arith.constant 0 : i32
    %c0_i32_0 = arith.constant 0 : i32
    %c0_i32_1 = arith.constant 0 : i32
    return %c0_i32, %c0_i32_0 : i32, i32
  }
  func.func @transform_10(%arg0: i32) -> (i32, i32) {
    %c0_i32 = arith.constant 0 : i32
    %c0_i32_0 = arith.constant 0 : i32
    %c0_i32_1 = arith.constant 0 : i32
    return %c0_i32, %c0_i32_0 : i32, i32
  }
  func.func @transform_11(%arg0: i32) -> (i32, i32) {
    %c0_i32 = arith.constant 0 : i32
    %c0_i32_0 = arith.constant 0 : i32
    %c0_i32_1 = arith.constant 0 : i32
    return %c0_i32, %c0_i32_0 : i32, i32
  }
  func.func @transform_12(%arg0: i32) -> (i32, i32) {
    %c0_i32 = arith.constant 0 : i32
    %c0_i32_0 = arith.constant 0 : i32
    %c0_i32_1 = arith.constant 0 : i32
    return %c0_i32, %c0_i32_0 : i32, i32
  }
  func.func @transform_13(%arg0: i32) -> (i32, i32) {
    %c0_i32 = arith.constant 0 : i32
    %c0_i32_0 = arith.constant 0 : i32
    return %arg0, %c0_i32 : i32, i32
  }
  func.func @transform_14(%arg0: i32) -> (i32, i32) {
    %c0_i32 = arith.constant 0 : i32
    %c0_i32_0 = arith.constant 0 : i32
    return %arg0, %c0_i32 : i32, i32
  }
  func.func @transform_15(%arg0: i32) -> (i32, i32) {
    %c0_i32 = arith.constant 0 : i32
    %c0_i32_0 = arith.constant 0 : i32
    return %arg0, %c0_i32 : i32, i32
  }
  func.func @transform_16(%arg0: i32) -> (i32, i32) {
    %c0_i32 = arith.constant 0 : i32
    %c0_i32_0 = arith.constant 0 : i32
    return %arg0, %c0_i32 : i32, i32
  }
}

module attributes {stable_mosaic.version = 14 : i64} {
  func.func @_b_body(%arg0: i32, %arg1: memref<2000x128xf32, #tpu.memory_space<vmem>>, %arg2: memref<2000x128xf32, #tpu.memory_space<vmem>>, %arg3: memref<2000x32xf32, #tpu.memory_space<vmem>>, %arg4: memref<2000x32xf32, #tpu.memory_space<vmem>>, %arg5: memref<2000x32xf32, #tpu.memory_space<vmem>>, %arg6: memref<2000x32xf32, #tpu.memory_space<vmem>>, %arg7: memref<128x32xf32, #tpu.memory_space<vmem>>, %arg8: memref<128x32xf32, #tpu.memory_space<vmem>>, %arg9: memref<32x32xf32, #tpu.memory_space<vmem>>, %arg10: memref<32x32xf32, #tpu.memory_space<vmem>>, %arg11: memref<32x32xf32, #tpu.memory_space<vmem>>, %arg12: memref<32x32xf32, #tpu.memory_space<vmem>>, %arg13: memref<1x32xf32, #tpu.memory_space<vmem>>, %arg14: memref<1x32xf32, #tpu.memory_space<vmem>>, %arg15: memref<1x32xf32, #tpu.memory_space<vmem>>, %arg16: memref<1x32xf32, #tpu.memory_space<vmem>>, %arg17: memref<192x8xf32, #tpu.memory_space<vmem>>, %arg18: memref<1x8xf32, #tpu.memory_space<vmem>>, %arg19: memref<32x32xf32, #tpu.memory_space<vmem>>, %arg20: memref<1x32xf32, #tpu.memory_space<vmem>>, %arg21: memref<1x1xf32, #tpu.memory_space<vmem>>, %arg22: memref<2000x32xf32, #tpu.memory_space<vmem>>) attributes {dimension_semantics = [#tpu.dimension_semantics<arbitrary>], iteration_bounds = array<i64: 5>, scalar_prefetch = 0 : i64, scratch_operands = 0 : i64, tpu.core_type = #tpu.core_type<tc>, window_params = [{transform_indices = @transform_0, window_bounds = array<i64: 2000, 128>}, {transform_indices = @transform_1, window_bounds = array<i64: 2000, 128>}, {transform_indices = @transform_2, window_bounds = array<i64: 2000, 32>}, {transform_indices = @transform_3, window_bounds = array<i64: 2000, 32>}, {transform_indices = @transform_4, window_bounds = array<i64: 2000, 32>}, {transform_indices = @transform_5, window_bounds = array<i64: 2000, 32>}, {pipeline_mode = #tpu.pipeline_mode<synchronous>, transform_indices = @transform_6, window_bounds = array<i64: 128, 32>}, {pipeline_mode = #tpu.pipeline_mode<synchronous>, transform_indices = @transform_7, window_bounds = array<i64: 128, 32>}, {pipeline_mode = #tpu.pipeline_mode<synchronous>, transform_indices = @transform_8, window_bounds = array<i64: 32, 32>}, {pipeline_mode = #tpu.pipeline_mode<synchronous>, transform_indices = @transform_9, window_bounds = array<i64: 32, 32>}, {pipeline_mode = #tpu.pipeline_mode<synchronous>, transform_indices = @transform_10, window_bounds = array<i64: 32, 32>}, {pipeline_mode = #tpu.pipeline_mode<synchronous>, transform_indices = @transform_11, window_bounds = array<i64: 32, 32>}, {pipeline_mode = #tpu.pipeline_mode<synchronous>, transform_indices = @transform_12, window_bounds = array<i64: 1, 32>}, {pipeline_mode = #tpu.pipeline_mode<synchronous>, transform_indices = @transform_13, window_bounds = array<i64: 1, 32>}, {pipeline_mode = #tpu.pipeline_mode<synchronous>, transform_indices = @transform_14, window_bounds = array<i64: 1, 32>}, {pipeline_mode = #tpu.pipeline_mode<synchronous>, transform_indices = @transform_15, window_bounds = array<i64: 1, 32>}, {pipeline_mode = #tpu.pipeline_mode<synchronous>, transform_indices = @transform_16, window_bounds = array<i64: 192, 8>}, {pipeline_mode = #tpu.pipeline_mode<synchronous>, transform_indices = @transform_17, window_bounds = array<i64: 1, 8>}, {pipeline_mode = #tpu.pipeline_mode<synchronous>, transform_indices = @transform_18, window_bounds = array<i64: 32, 32>}, {pipeline_mode = #tpu.pipeline_mode<synchronous>, transform_indices = @transform_19, window_bounds = array<i64: 1, 32>}, {pipeline_mode = #tpu.pipeline_mode<synchronous>, transform_indices = @transform_20, window_bounds = array<i64: 1, 1>}, {transform_indices = @transform_21, window_bounds = array<i64: 2000, 32>}]} {
    %get3A = arith.constant 0 : index
    %get3A_0 = arith.constant 0 : index
    %get3A_1 = vector.load %arg1[%get3A, %get3A_0] : memref<2000x128xf32, #tpu.memory_space<vmem>>, vector<2000x128xf32>
    %get3A_2 = arith.constant 0 : index
    %get3A_3 = arith.constant 0 : index
    %get3A_4 = vector.load %arg7[%get3A_2, %get3A_3] : memref<128x32xf32, #tpu.memory_space<vmem>>, vector<128x32xf32>
    %dot_general3A = arith.constant dense<0.000000e+00> : vector<2000x32xf32>
    %dot_general3A_5 = tpu.matmul %get3A_1, %get3A_4, %dot_general3A {dimension_numbers = #tpu.dot_dimension_numbers<[1], [0], [0], [1], [0, 0, 1, 1], [], []>, transpose_lhs_hint = false} : vector<2000x128xf32>, vector<128x32xf32>, vector<2000x32xf32> -> vector<2000x32xf32>
    %get3A_6 = arith.constant 0 : index
    %get3A_7 = arith.constant 0 : index
    %get3A_8 = vector.load %arg3[%get3A_6, %get3A_7] : memref<2000x32xf32, #tpu.memory_space<vmem>>, vector<2000x32xf32>
    %add3A = arith.addf %dot_general3A_5, %get3A_8 : vector<2000x32xf32>
    %get3A_9 = arith.constant 0 : index
    %get3A_10 = arith.constant 0 : index
    %get3A_11 = vector.load %arg13[%get3A_9, %get3A_10] : memref<1x32xf32, #tpu.memory_space<vmem>>, vector<1x32xf32>
    %add3A_12 = vector.broadcast %get3A_11 : vector<1x32xf32> to vector<2000x32xf32>
    %add3A_13 = arith.addf %add3A, %add3A_12 : vector<2000x32xf32>
    %max3A = arith.constant 0.000000e+00 : f32
    %max3A_14 = vector.broadcast %max3A : f32 to vector<2000x32xf32>
    %max3A_15 = arith.maximumf %add3A_13, %max3A_14 : vector<2000x32xf32>
    %get3A_16 = arith.constant 0 : index
    %get3A_17 = arith.constant 0 : index
    %get3A_18 = vector.load %arg2[%get3A_16, %get3A_17] : memref<2000x128xf32, #tpu.memory_space<vmem>>, vector<2000x128xf32>
    %get3A_19 = arith.constant 0 : index
    %get3A_20 = arith.constant 0 : index
    %get3A_21 = vector.load %arg8[%get3A_19, %get3A_20] : memref<128x32xf32, #tpu.memory_space<vmem>>, vector<128x32xf32>
    %dot_general3A_22 = arith.constant dense<0.000000e+00> : vector<2000x32xf32>
    %dot_general3A_23 = tpu.matmul %get3A_18, %get3A_21, %dot_general3A_22 {dimension_numbers = #tpu.dot_dimension_numbers<[1], [0], [0], [1], [0, 0, 1, 1], [], []>, transpose_lhs_hint = false} : vector<2000x128xf32>, vector<128x32xf32>, vector<2000x32xf32> -> vector<2000x32xf32>
    %get3A_24 = arith.constant 0 : index
    %get3A_25 = arith.constant 0 : index
    %get3A_26 = vector.load %arg5[%get3A_24, %get3A_25] : memref<2000x32xf32, #tpu.memory_space<vmem>>, vector<2000x32xf32>
    %add3A_27 = arith.addf %dot_general3A_23, %get3A_26 : vector<2000x32xf32>
    %get3A_28 = arith.constant 0 : index
    %get3A_29 = arith.constant 0 : index
    %get3A_30 = vector.load %arg14[%get3A_28, %get3A_29] : memref<1x32xf32, #tpu.memory_space<vmem>>, vector<1x32xf32>
    %add3A_31 = vector.broadcast %get3A_30 : vector<1x32xf32> to vector<2000x32xf32>
    %add3A_32 = arith.addf %add3A_27, %add3A_31 : vector<2000x32xf32>
    %max3A_33 = arith.constant 0.000000e+00 : f32
    %max3A_34 = vector.broadcast %max3A_33 : f32 to vector<2000x32xf32>
    %max3A_35 = arith.maximumf %add3A_32, %max3A_34 : vector<2000x32xf32>
    %get3A_36 = arith.constant 0 : index
    %get3A_37 = arith.constant 0 : index
    %get3A_38 = vector.load %arg9[%get3A_36, %get3A_37] : memref<32x32xf32, #tpu.memory_space<vmem>>, vector<32x32xf32>
    %dot_general3A_39 = arith.constant dense<0.000000e+00> : vector<2000x32xf32>
    %dot_general3A_40 = tpu.matmul %max3A_15, %get3A_38, %dot_general3A_39 {dimension_numbers = #tpu.dot_dimension_numbers<[1], [0], [0], [1], [0, 0, 1, 1], [], []>, transpose_lhs_hint = false} : vector<2000x32xf32>, vector<32x32xf32>, vector<2000x32xf32> -> vector<2000x32xf32>
    %get3A_41 = arith.constant 0 : index
    %get3A_42 = arith.constant 0 : index
    %get3A_43 = vector.load %arg4[%get3A_41, %get3A_42] : memref<2000x32xf32, #tpu.memory_space<vmem>>, vector<2000x32xf32>
    %get3A_44 = arith.constant 0 : index
    %get3A_45 = arith.constant 0 : index
    %get3A_46 = vector.load %arg10[%get3A_44, %get3A_45] : memref<32x32xf32, #tpu.memory_space<vmem>>, vector<32x32xf32>
    %dot_general3A_47 = arith.constant dense<0.000000e+00> : vector<2000x32xf32>
    %dot_general3A_48 = tpu.matmul %get3A_43, %get3A_46, %dot_general3A_47 {dimension_numbers = #tpu.dot_dimension_numbers<[1], [0], [0], [1], [0, 0, 1, 1], [], []>, transpose_lhs_hint = false} : vector<2000x32xf32>, vector<32x32xf32>, vector<2000x32xf32> -> vector<2000x32xf32>
    %add3A_49 = arith.addf %dot_general3A_40, %dot_general3A_48 : vector<2000x32xf32>
    %get3A_50 = arith.constant 0 : index
    %get3A_51 = arith.constant 0 : index
    %get3A_52 = vector.load %arg15[%get3A_50, %get3A_51] : memref<1x32xf32, #tpu.memory_space<vmem>>, vector<1x32xf32>
    %add3A_53 = vector.broadcast %get3A_52 : vector<1x32xf32> to vector<2000x32xf32>
    %add3A_54 = arith.addf %add3A_49, %add3A_53 : vector<2000x32xf32>
    %get3A_55 = arith.constant 0 : index
    %get3A_56 = arith.constant 0 : index
    %get3A_57 = vector.load %arg11[%get3A_55, %get3A_56] : memref<32x32xf32, #tpu.memory_space<vmem>>, vector<32x32xf32>
    %dot_general3A_58 = arith.constant dense<0.000000e+00> : vector<2000x32xf32>
    %dot_general3A_59 = tpu.matmul %max3A_35, %get3A_57, %dot_general3A_58 {dimension_numbers = #tpu.dot_dimension_numbers<[1], [0], [0], [1], [0, 0, 1, 1], [], []>, transpose_lhs_hint = false} : vector<2000x32xf32>, vector<32x32xf32>, vector<2000x32xf32> -> vector<2000x32xf32>
    %get3A_60 = arith.constant 0 : index
    %get3A_61 = arith.constant 0 : index
    %get3A_62 = vector.load %arg6[%get3A_60, %get3A_61] : memref<2000x32xf32, #tpu.memory_space<vmem>>, vector<2000x32xf32>
    %get3A_63 = arith.constant 0 : index
    %get3A_64 = arith.constant 0 : index
    %get3A_65 = vector.load %arg12[%get3A_63, %get3A_64] : memref<32x32xf32, #tpu.memory_space<vmem>>, vector<32x32xf32>
    %dot_general3A_66 = arith.constant dense<0.000000e+00> : vector<2000x32xf32>
    %dot_general3A_67 = tpu.matmul %get3A_62, %get3A_65, %dot_general3A_66 {dimension_numbers = #tpu.dot_dimension_numbers<[1], [0], [0], [1], [0, 0, 1, 1], [], []>, transpose_lhs_hint = false} : vector<2000x32xf32>, vector<32x32xf32>, vector<2000x32xf32> -> vector<2000x32xf32>
    %add3A_68 = arith.addf %dot_general3A_59, %dot_general3A_67 : vector<2000x32xf32>
    %get3A_69 = arith.constant 0 : index
    %get3A_70 = arith.constant 0 : index
    %get3A_71 = vector.load %arg16[%get3A_69, %get3A_70] : memref<1x32xf32, #tpu.memory_space<vmem>>, vector<1x32xf32>
    %add3A_72 = vector.broadcast %get3A_71 : vector<1x32xf32> to vector<2000x32xf32>
    %add3A_73 = arith.addf %add3A_68, %add3A_72 : vector<2000x32xf32>
    %mul3A = arith.mulf %max3A_15, %max3A_35 : vector<2000x32xf32>
    %mul3A_74 = arith.mulf %max3A_15, %add3A_73 : vector<2000x32xf32>
    %mul3A_75 = arith.mulf %add3A_54, %max3A_35 : vector<2000x32xf32>
    %mul3A_76 = arith.mulf %add3A_54, %add3A_73 : vector<2000x32xf32>
    %concatenate3A = tpu.concatenate %mul3A, %mul3A_74, %mul3A_75, %mul3A_76, %max3A_15, %add3A_54 in 1 : vector<2000x32xf32>, vector<2000x32xf32>, vector<2000x32xf32>, vector<2000x32xf32>, vector<2000x32xf32>, vector<2000x32xf32> -> vector<2000x192xf32>
    %get3A_77 = arith.constant 0 : index
    %get3A_78 = arith.constant 0 : index
    %get3A_79 = vector.load %arg17[%get3A_77, %get3A_78] : memref<192x8xf32, #tpu.memory_space<vmem>>, vector<192x8xf32>
    %dot_general3A_80 = arith.constant dense<0.000000e+00> : vector<2000x8xf32>
    %dot_general3A_81 = tpu.matmul %concatenate3A, %get3A_79, %dot_general3A_80 {dimension_numbers = #tpu.dot_dimension_numbers<[1], [0], [0], [1], [0, 0, 1, 1], [], []>, transpose_lhs_hint = false} : vector<2000x192xf32>, vector<192x8xf32>, vector<2000x8xf32> -> vector<2000x8xf32>
    %get3A_82 = arith.constant 0 : index
    %get3A_83 = arith.constant 0 : index
    %get3A_84 = vector.load %arg18[%get3A_82, %get3A_83] : memref<1x8xf32, #tpu.memory_space<vmem>>, vector<1x8xf32>
    %add3A_85 = vector.broadcast %get3A_84 : vector<1x8xf32> to vector<2000x8xf32>
    %add3A_86 = arith.addf %dot_general3A_81, %add3A_85 : vector<2000x8xf32>
    %reduce_max3A = arith.constant dense<0xFF800000> : vector<2000xf32>
    %reduce_max3A_87 = vector.multi_reduction <maximumf>, %add3A_86, %reduce_max3A [1] : vector<2000x8xf32> to vector<2000xf32>
    %broadcast_in_dim3A = vector.shape_cast %reduce_max3A_87 : vector<2000xf32> to vector<2000x1xf32>
    %sub3A = vector.broadcast %broadcast_in_dim3A : vector<2000x1xf32> to vector<2000x8xf32>
    %sub3A_88 = arith.subf %add3A_86, %sub3A : vector<2000x8xf32>
    %exp3A = math.exp %sub3A_88 : vector<2000x8xf32>
    %reduce_sum3A = arith.constant dense<0.000000e+00> : vector<2000xf32>
    %reduce_sum3A_89 = vector.multi_reduction <add>, %exp3A, %reduce_sum3A [1] : vector<2000x8xf32> to vector<2000xf32>
    %broadcast_in_dim3A_90 = vector.shape_cast %reduce_sum3A_89 : vector<2000xf32> to vector<2000x1xf32>
    %div3A = arith.constant 1.000000e+00 : f32
    %div3A_91 = vector.broadcast %div3A : f32 to vector<2000x1xf32>
    %div3A_92 = arith.divf %div3A_91, %broadcast_in_dim3A_90 : vector<2000x1xf32>
    %slice3A = vector.extract_strided_slice %exp3A {offsets = [0, 0], sizes = [2000, 1], strides = [1, 1]} : vector<2000x8xf32> to vector<2000x1xf32>
    %mul3A_93 = vector.broadcast %slice3A : vector<2000x1xf32> to vector<2000x32xf32>
    %mul3A_94 = arith.mulf %mul3A_93, %mul3A : vector<2000x32xf32>
    %slice3A_95 = vector.extract_strided_slice %exp3A {offsets = [0, 1], sizes = [2000, 1], strides = [1, 1]} : vector<2000x8xf32> to vector<2000x1xf32>
    %mul3A_96 = vector.broadcast %slice3A_95 : vector<2000x1xf32> to vector<2000x32xf32>
    %mul3A_97 = arith.mulf %mul3A_96, %mul3A_74 : vector<2000x32xf32>
    %add3A_98 = arith.addf %mul3A_94, %mul3A_97 : vector<2000x32xf32>
    %slice3A_99 = vector.extract_strided_slice %exp3A {offsets = [0, 2], sizes = [2000, 1], strides = [1, 1]} : vector<2000x8xf32> to vector<2000x1xf32>
    %mul3A_100 = vector.broadcast %slice3A_99 : vector<2000x1xf32> to vector<2000x32xf32>
    %mul3A_101 = arith.mulf %mul3A_100, %mul3A_75 : vector<2000x32xf32>
    %add3A_102 = arith.addf %add3A_98, %mul3A_101 : vector<2000x32xf32>
    %slice3A_103 = vector.extract_strided_slice %exp3A {offsets = [0, 3], sizes = [2000, 1], strides = [1, 1]} : vector<2000x8xf32> to vector<2000x1xf32>
    %mul3A_104 = vector.broadcast %slice3A_103 : vector<2000x1xf32> to vector<2000x32xf32>
    %mul3A_105 = arith.mulf %mul3A_104, %mul3A_76 : vector<2000x32xf32>
    %add3A_106 = arith.addf %add3A_102, %mul3A_105 : vector<2000x32xf32>
    %slice3A_107 = vector.extract_strided_slice %exp3A {offsets = [0, 4], sizes = [2000, 1], strides = [1, 1]} : vector<2000x8xf32> to vector<2000x1xf32>
    %mul3A_108 = vector.broadcast %slice3A_107 : vector<2000x1xf32> to vector<2000x32xf32>
    %mul3A_109 = arith.mulf %mul3A_108, %max3A_15 : vector<2000x32xf32>
    %add3A_110 = arith.addf %add3A_106, %mul3A_109 : vector<2000x32xf32>
    %slice3A_111 = vector.extract_strided_slice %exp3A {offsets = [0, 5], sizes = [2000, 1], strides = [1, 1]} : vector<2000x8xf32> to vector<2000x1xf32>
    %mul3A_112 = vector.broadcast %slice3A_111 : vector<2000x1xf32> to vector<2000x32xf32>
    %mul3A_113 = arith.mulf %mul3A_112, %add3A_54 : vector<2000x32xf32>
    %add3A_114 = arith.addf %add3A_110, %mul3A_113 : vector<2000x32xf32>
    %mul3A_115 = vector.broadcast %div3A_92 : vector<2000x1xf32> to vector<2000x32xf32>
    %mul3A_116 = arith.mulf %add3A_114, %mul3A_115 : vector<2000x32xf32>
    %get3A_117 = arith.constant 0 : index
    %get3A_118 = arith.constant 0 : index
    %get3A_119 = vector.load %arg21[%get3A_117, %get3A_118] : memref<1x1xf32, #tpu.memory_space<vmem>>, vector<1x1xf32>
    %mul3A_120 = vector.broadcast %get3A_119 : vector<1x1xf32> to vector<2000x32xf32>
    %mul3A_121 = arith.mulf %mul3A_120, %add3A_54 : vector<2000x32xf32>
    %sub3A_122 = arith.constant 1.000000e+00 : f32
    %sub3A_123 = vector.broadcast %sub3A_122 : f32 to vector<1x1xf32>
    %sub3A_124 = arith.subf %sub3A_123, %get3A_119 : vector<1x1xf32>
    %mul3A_125 = vector.broadcast %sub3A_124 : vector<1x1xf32> to vector<2000x32xf32>
    %mul3A_126 = arith.mulf %mul3A_125, %mul3A_116 : vector<2000x32xf32>
    %add3A_127 = arith.addf %mul3A_121, %mul3A_126 : vector<2000x32xf32>
    %get3A_128 = arith.constant 0 : index
    %get3A_129 = arith.constant 0 : index
    %get3A_130 = vector.load %arg19[%get3A_128, %get3A_129] : memref<32x32xf32, #tpu.memory_space<vmem>>, vector<32x32xf32>
    %dot_general3A_131 = arith.constant dense<0.000000e+00> : vector<2000x32xf32>
    %dot_general3A_132 = tpu.matmul %add3A_127, %get3A_130, %dot_general3A_131 {dimension_numbers = #tpu.dot_dimension_numbers<[1], [0], [0], [1], [0, 0, 1, 1], [], []>, transpose_lhs_hint = false} : vector<2000x32xf32>, vector<32x32xf32>, vector<2000x32xf32> -> vector<2000x32xf32>
    %get3A_133 = arith.constant 0 : index
    %get3A_134 = arith.constant 0 : index
    %get3A_135 = vector.load %arg20[%get3A_133, %get3A_134] : memref<1x32xf32, #tpu.memory_space<vmem>>, vector<1x32xf32>
    %add3A_136 = vector.broadcast %get3A_135 : vector<1x32xf32> to vector<2000x32xf32>
    %add3A_137 = arith.addf %dot_general3A_132, %add3A_136 : vector<2000x32xf32>
    %reduce_max3A_138 = arith.constant dense<0xFF800000> : vector<2000xf32>
    %reduce_max3A_139 = vector.multi_reduction <maximumf>, %add3A_137, %reduce_max3A_138 [1] : vector<2000x32xf32> to vector<2000xf32>
    %broadcast_in_dim3A_140 = vector.shape_cast %reduce_max3A_139 : vector<2000xf32> to vector<2000x1xf32>
    %sub3A_141 = vector.broadcast %broadcast_in_dim3A_140 : vector<2000x1xf32> to vector<2000x32xf32>
    %sub3A_142 = arith.subf %add3A_137, %sub3A_141 : vector<2000x32xf32>
    %exp3A_143 = math.exp %sub3A_142 : vector<2000x32xf32>
    %reduce_sum3A_144 = arith.constant dense<0.000000e+00> : vector<2000xf32>
    %reduce_sum3A_145 = vector.multi_reduction <add>, %exp3A_143, %reduce_sum3A_144 [1] : vector<2000x32xf32> to vector<2000xf32>
    %broadcast_in_dim3A_146 = vector.shape_cast %reduce_sum3A_145 : vector<2000xf32> to vector<2000x1xf32>
    %log3A = math.log %broadcast_in_dim3A_146 : vector<2000x1xf32>
    %sub3A_147 = vector.broadcast %log3A : vector<2000x1xf32> to vector<2000x32xf32>
    %sub3A_148 = arith.subf %sub3A_142, %sub3A_147 : vector<2000x32xf32>
    %swap3A = arith.constant 0 : index
    %swap3A_149 = arith.constant 0 : index
    %swap3A_150 = vector.load %arg22[%swap3A, %swap3A_149] : memref<2000x32xf32, #tpu.memory_space<vmem>>, vector<2000x32xf32>
    tpu.vector_store %arg22[%swap3A, %swap3A_149], %sub3A_148 {strides = array<i32>} : memref<2000x32xf32, #tpu.memory_space<vmem>>, vector<2000x32xf32>,
    return
  }
  func.func @transform_0(%arg0: i32) -> (i32, i32) {
    %c0_i32 = arith.constant 0 : i32
    %c0_i32_0 = arith.constant 0 : i32
    return %arg0, %c0_i32 : i32, i32
  }
  func.func @transform_1(%arg0: i32) -> (i32, i32) {
    %c0_i32 = arith.constant 0 : i32
    %c0_i32_0 = arith.constant 0 : i32
    return %arg0, %c0_i32 : i32, i32
  }
  func.func @transform_2(%arg0: i32) -> (i32, i32) {
    %c0_i32 = arith.constant 0 : i32
    %c0_i32_0 = arith.constant 0 : i32
    return %arg0, %c0_i32 : i32, i32
  }
  func.func @transform_3(%arg0: i32) -> (i32, i32) {
    %c0_i32 = arith.constant 0 : i32
    %c0_i32_0 = arith.constant 0 : i32
    return %arg0, %c0_i32 : i32, i32
  }
  func.func @transform_4(%arg0: i32) -> (i32, i32) {
    %c0_i32 = arith.constant 0 : i32
    %c0_i32_0 = arith.constant 0 : i32
    return %arg0, %c0_i32 : i32, i32
  }
  func.func @transform_5(%arg0: i32) -> (i32, i32) {
    %c0_i32 = arith.constant 0 : i32
    %c0_i32_0 = arith.constant 0 : i32
    return %arg0, %c0_i32 : i32, i32
  }
  func.func @transform_6(%arg0: i32) -> (i32, i32) {
    %c0_i32 = arith.constant 0 : i32
    %c0_i32_0 = arith.constant 0 : i32
    %c0_i32_1 = arith.constant 0 : i32
    return %c0_i32, %c0_i32_0 : i32, i32
  }
  func.func @transform_7(%arg0: i32) -> (i32, i32) {
    %c0_i32 = arith.constant 0 : i32
    %c0_i32_0 = arith.constant 0 : i32
    %c0_i32_1 = arith.constant 0 : i32
    return %c0_i32, %c0_i32_0 : i32, i32
  }
  func.func @transform_8(%arg0: i32) -> (i32, i32) {
    %c0_i32 = arith.constant 0 : i32
    %c0_i32_0 = arith.constant 0 : i32
    %c0_i32_1 = arith.constant 0 : i32
    return %c0_i32, %c0_i32_0 : i32, i32
  }
  func.func @transform_9(%arg0: i32) -> (i32, i32) {
    %c0_i32 = arith.constant 0 : i32
    %c0_i32_0 = arith.constant 0 : i32
    %c0_i32_1 = arith.constant 0 : i32
    return %c0_i32, %c0_i32_0 : i32, i32
  }
  func.func @transform_10(%arg0: i32) -> (i32, i32) {
    %c0_i32 = arith.constant 0 : i32
    %c0_i32_0 = arith.constant 0 : i32
    %c0_i32_1 = arith.constant 0 : i32
    return %c0_i32, %c0_i32_0 : i32, i32
  }
  func.func @transform_11(%arg0: i32) -> (i32, i32) {
    %c0_i32 = arith.constant 0 : i32
    %c0_i32_0 = arith.constant 0 : i32
    %c0_i32_1 = arith.constant 0 : i32
    return %c0_i32, %c0_i32_0 : i32, i32
  }
  func.func @transform_12(%arg0: i32) -> (i32, i32) {
    %c0_i32 = arith.constant 0 : i32
    %c0_i32_0 = arith.constant 0 : i32
    %c0_i32_1 = arith.constant 0 : i32
    return %c0_i32, %c0_i32_0 : i32, i32
  }
  func.func @transform_13(%arg0: i32) -> (i32, i32) {
    %c0_i32 = arith.constant 0 : i32
    %c0_i32_0 = arith.constant 0 : i32
    %c0_i32_1 = arith.constant 0 : i32
    return %c0_i32, %c0_i32_0 : i32, i32
  }
  func.func @transform_14(%arg0: i32) -> (i32, i32) {
    %c0_i32 = arith.constant 0 : i32
    %c0_i32_0 = arith.constant 0 : i32
    %c0_i32_1 = arith.constant 0 : i32
    return %c0_i32, %c0_i32_0 : i32, i32
  }
  func.func @transform_15(%arg0: i32) -> (i32, i32) {
    %c0_i32 = arith.constant 0 : i32
    %c0_i32_0 = arith.constant 0 : i32
    %c0_i32_1 = arith.constant 0 : i32
    return %c0_i32, %c0_i32_0 : i32, i32
  }
  func.func @transform_16(%arg0: i32) -> (i32, i32) {
    %c0_i32 = arith.constant 0 : i32
    %c0_i32_0 = arith.constant 0 : i32
    %c0_i32_1 = arith.constant 0 : i32
    return %c0_i32, %c0_i32_0 : i32, i32
  }
  func.func @transform_17(%arg0: i32) -> (i32, i32) {
    %c0_i32 = arith.constant 0 : i32
    %c0_i32_0 = arith.constant 0 : i32
    %c0_i32_1 = arith.constant 0 : i32
    return %c0_i32, %c0_i32_0 : i32, i32
  }
  func.func @transform_18(%arg0: i32) -> (i32, i32) {
    %c0_i32 = arith.constant 0 : i32
    %c0_i32_0 = arith.constant 0 : i32
    %c0_i32_1 = arith.constant 0 : i32
    return %c0_i32, %c0_i32_0 : i32, i32
  }
  func.func @transform_19(%arg0: i32) -> (i32, i32) {
    %c0_i32 = arith.constant 0 : i32
    %c0_i32_0 = arith.constant 0 : i32
    %c0_i32_1 = arith.constant 0 : i32
    return %c0_i32, %c0_i32_0 : i32, i32
  }
  func.func @transform_20(%arg0: i32) -> (i32, i32) {
    %c0_i32 = arith.constant 0 : i32
    %c0_i32_0 = arith.constant 0 : i32
    %c0_i32_1 = arith.constant 0 : i32
    return %c0_i32, %c0_i32_0 : i32, i32
  }
  func.func @transform_21(%arg0: i32) -> (i32, i32) {
    %c0_i32 = arith.constant 0 : i32
    %c0_i32_0 = arith.constant 0 : i32
    return %arg0, %c0_i32 : i32, i32
  }
}

</mosaic_0001>

<sc_bundles>
// kernel: kernel.6.cloned.1.call-start
scs
__scs_entry_jumppad:
0x0: {  	(pc) =	sbr.rel $0x88, $3  }
0x1: {  	(tag) =	ssettag $0x0;
	lr =	simm.s32 $0x1  }
0x2: {  	[smem:$0x3F8C] =	sst lr;
	_ =	strace $0xD0000000  }
0x3: {  	_ = 	snop  }
0x4: {  	_ = 	snop  }
0x5: {  	_ = 	snop  }
0x6: {  	_ = 	snop  }
0x7: {  	_ = 	snop  }
__scs_overlays_trampoline_lowered:
0x8: {  	[smem:$0x3F9B] =	sst s0  }
0x9: {  	[smem:$0x3F9C] =	sst s1  }
0xa: {  	[smem:$0x3F9D] =	sst s2  }
0xb: {  	[smem:$0x3F9E] =	sst s3  }
0xc: {  	[smem:$0x3F9F] =	sst s4  }
0xd: {  	[smem:$0x3FA0] =	sst s5  }
0xe: {  	[smem:$0x3FA1] =	sst s6  }
0xf: {  	[smem:$0x3FA2] =	sst s7  }
0x10: {  	[smem:$0x3FA3] =	sst s8  }
0x11: {  	[smem:$0x3FA4] =	sst s9;
	s0 =	simm.s32 @!p0 $0x0  }
0x12: {  	s1 =	sld [smem:$0x3F8A];
	s0 =	simm.s32 @p0 $0x1  }
0x13: {  	[smem:$0x3FA5] =	sst s0;
	s0 =	simm.s32 @!p1 $0x0  }
0x14: {  	s2 =	sld [smem:$0x3F89];
	s0 =	simm.s32 @p1 $0x1  }
0x15: {  	[smem:$0x3FA6] =	sst s0;
	s0 =	simm.s32 @!p2 $0x0  }
0x16: {  	s3 =	sld [smem:$0x3FDB];
	s0 =	simm.s32 @p2 $0x1  }
0x17: {  	s4 =	simm.s32 $0x1BF5;
	[smem:$0x3FA8] =	sst s0  }
0x18: {  	s0 =	sld [smem:$0x3F8B];
	_ =	swait.ge [sflag:s4], $0x0  }
0x19: {  	s7 =	sld [smem:$0x3F8C]  }
0x1a: {  	s8 =	sadd.s32 $0xFFFFE003, lr  }
0x1b: {  	s9 =	sadd.s32 $0xFFFFFEF7, lr;
	s5 =	simm.s32 $0xFFFFFFFF;
	p2 =	slt.u32 s8, $0xFFFFF086  }
0x1c: {  	p1 =	slt.u32 s9, $0xF7A;
	s5 =	simm.s32 @!p2 $0x0  }
0x1d: {  	s5 =	simm.s32 @p1 $0x1;
	p0 =	seq.s32 s7, s2  }
0x1e: {  	s7 =	smul.u32 @!p0 $0xF7A, s2;
	p2 =	seq.s32 @!p0 s5, $0x0  }
0x1f: {  	s9 =	smul.u32 $0xF7A, s1;
	s8 =	simm.s32 @!p0 $0x1BF5;
	p2 =	por !p2, p0  }
0x20: {  	[sflag:s8] =	ssyncset.s32 @!p0 $0xFFFFF086;
	s6 =	sadd.s32 @!p0 s3, s7;
	s7 =	simm.s32 @!p0 $0x108  }
0x21: {  	s3 =	sadd.s32 s3, s9;
	s6 =	sadd.s32 @!p0 $0x88, s6;
	s7 =	simm.s32 @p2 $0x1082  }
0x22: {  	[simem:s7], [sflag:s8] =	dma.local @!p0 [hbm:s6], $0xF7A  }
0x23: {  	s9 =	sor.u32 $0xD0000000, s2;
	s6 =	simm.s32 $0x108;
	_ =	swait.ge @!p0 [sflag:s8], $0x0  }
0x24: {  	s3 =	sadd.s32 $0x88, s3;
	s6 =	simm.s32 @!p1 $0x1082;
	[sflag:s4] =	ssyncset.s32 $0xFFFFF086  }
0x25: {  	[simem:s6], [sflag:s4] =	dma.local [hbm:s3], $0xF7A  }
0x26: {  	[smem:$0x3F8C] =	sst s1;
	(tag) =	ssettag s2;
	_ =	strace s9  }
0x27: {  	s1 =	sld [smem:$0x3F9C]  }
0x28: {  	s2 =	sld [smem:$0x3F9D]  }
0x29: {  	s4 =	sld [smem:$0x3F9F]  }
0x2a: {  	p0 =	seq.s32 s5, $0x0;
	s5 =	sld [smem:$0x3FA0]  }
0x2b: {  	s6 =	sld [smem:$0x3FA1]  }
0x2c: {  	s7 =	sld [smem:$0x3FA2]  }
0x2d: {  	s3 =	simm.s32 $0x108;
	s8 =	sld [smem:$0x3FA3]  }
0x2e: {  	s3 =	simm.s32 @!p0 $0x1082;
	s9 =	sld [smem:$0x3FA4]  }
0x2f: {  	lr =	sadd.s32 s0, s3;
	s0 =	sld [smem:$0x3F9B]  }
0x30: {  	s3 =	sld [smem:$0x3F9E]  }
0x31: {  	[smem:$0x3FA7] =	sst s10  }
0x32: {  	s10 =	sld [smem:$0x3FA5];
	_ =	sdelay $0x3  }
0x33: {  	p0 =	seq.s32 s10, $0x1;
	s10 =	sld [smem:$0x3FA7];
	_ =	sdelay $0x3  }
0x34: {  	[smem:$0x3FA7] =	sst s10  }
0x35: {  	s10 =	sld [smem:$0x3FA6];
	_ =	sdelay $0x3  }
0x36: {  	p1 =	seq.s32 s10, $0x1;
	s10 =	sld [smem:$0x3FA7];
	_ =	sdelay $0x3  }
0x37: {  	[smem:$0x3FA7] =	sst s10  }
0x38: {  	s10 =	sld [smem:$0x3FA8]  }
0x39: {  	_ = 	snop;
	(pc) =	sbr.ind lr, $3  }
0x3a: {  	_ = 	snop  }
0x3b: {  	_ = 	snop  }
0x3c: {  	p2 =	seq.s32 s10, $0x1;
	s10 =	sld [smem:$0x3FA7]  }
0x3d: {  	_ =	shalt  }
0x3e: {  	_ =	shalt  }
0x3f: {  	_ =	shalt  }
0x40: {  	_ =	shalt  }
0x41: {  	_ =	shalt  }
0x42: {  	_ =	shalt  }
0x43: {  	_ =	shalt  }
0x44: {  	_ =	shalt  }
0x45: {  	_ =	shalt  }
0x46: {  	_ =	shalt  }
0x47: {  	_ =	shalt  }
0x48: {  	_ =	shalt  }
0x49: {  	_ =	shalt  }
0x4a: {  	_ =	shalt  }
0x4b: {  	_ =	shalt  }
0x4c: {  	_ =	shalt  }
0x4d: {  	_ =	shalt  }
0x4e: {  	_ =	shalt  }
0x4f: {  	_ =	shalt  }
0x50: {  	_ =	shalt  }
0x51: {  	_ =	shalt  }
0x52: {  	_ =	shalt  }
0x53: {  	_ =	shalt  }
0x54: {  	_ =	shalt  }
0x55: {  	_ =	shalt  }
0x56: {  	_ =	shalt  }
0x57: {  	_ =	shalt  }
0x58: {  	_ =	shalt  }
0x59: {  	_ =	shalt  }
0x5a: {  	_ =	shalt  }
0x5b: {  	_ =	shalt  }
0x5c: {  	_ =	shalt  }
0x5d: {  	_ =	shalt  }
0x5e: {  	_ =	shalt  }
0x5f: {  	_ =	shalt  }
0x60: {  	_ =	shalt  }
0x61: {  	_ =	shalt  }
0x62: {  	_ =	shalt  }
0x63: {  	_ =	shalt  }
0x64: {  	_ =	shalt  }
0x65: {  	_ =	shalt  }
0x66: {  	_ =	shalt  }
0x67: {  	_ =	shalt  }
0x68: {  	_ =	shalt  }
0x69: {  	_ =	shalt  }
0x6a: {  	_ =	shalt  }
0x6b: {  	_ =	shalt  }
0x6c: {  	_ =	shalt  }
0x6d: {  	_ =	shalt  }
0x6e: {  	_ =	shalt  }
0x6f: {  	_ =	shalt  }
0x70: {  	_ =	shalt  }
0x71: {  	_ =	shalt  }
0x72: {  	_ =	shalt  }
0x73: {  	_ =	shalt  }
0x74: {  	_ =	shalt  }
0x75: {  	_ =	shalt  }
0x76: {  	_ =	shalt  }
0x77: {  	_ =	shalt  }
0x78: {  	_ =	shalt  }
0x79: {  	_ =	shalt  }
0x7a: {  	_ =	shalt  }
0x7b: {  	_ =	shalt  }
0x7c: {  	_ =	shalt  }
0x7d: {  	_ =	shalt  }
0x7e: {  	_ =	shalt  }
0x7f: {  	_ =	shalt  }
0x80: {  	_ =	shalt  }
0x81: {  	_ =	shalt  }
0x82: {  	_ =	shalt  }
0x83: {  	_ =	shalt  }
0x84: {  	_ =	shalt  }
0x85: {  	_ =	shalt  }
0x86: {  	_ =	shalt  }
0x87: {  	_ =	shalt  }
.Lfunc_end0:
.L_simem_size_0:
called_computation_lowered:
.L_overlay_start_0:
0x88: {  	s2 =	sld [smem:$0x3FD9]  }
0x89: {  	s3 =	sld [smem:$0x3FFE];
	_ =	sdelay $0x1  }
0x8a: {  	s1 =	srdreg.scid  }
0x8b: {  	s0 =	sand.u32 $0x1, s1  }
0x8c: {  	s17 =	sshll.u32 s0, $0xA;
	s2 =	sadd.s32 s3, s2  }
0x8d: {  	s2 =	sadd.s32 s2, s17  }
0x8e: {  	[smem:$0x3FB3] =	sst s2  }
0x8f: {  	_ = 	snop  }
0x90: {  	s2 =	sld [smem:$0x3FD0];
	(tm) =	ssettm $0x1  }
0x91: {  	s18 =	sld [smem:$0x3FFB];
	_ =	sdelay $0x3  }
0x92: {  	_ =	strace s18  }
0x93: {  	s3 =	sld [smem:$0x3FFC];
	_ =	sdelay $0x3  }
0x94: {  	_ =	strace s3  }
0x95: {  	s3 =	sld [smem:$0x3FFD];
	_ =	sdelay $0x3  }
0x96: {  	_ =	strace s3  }
0x97: {  	_ =	strace $0x8FFFFFFF  }
0x98: {  	s19 =	sld [smem:$0x3FDB];
	_ =	sdelay $0x1  }
0x99: {  	s4 =	simm.s32 $_scs_section_size  }
0x9a: {  	s5 =	simm.s32 $_size__tile_overlayer_lowered;
	s6 =	simm.s32 $_tile_overlayer_lowered  }
0x9b: {  	s22 =	simm.s32 $0x1BFF;
	s21 =	sshll.u32 s6, $0x1;
	s3 =	sadd.s32 s4, s19  }
0x9c: {  	s7 =	simm.s32 $0x0;
	s20 =	sshll.u32 s5, $0x1;
	s5 =	sadd.s32 s21, s3  }
0x9d: {  	[timem:s7], [sflag:s22] =	dma.local [hbm:s5], s20  }
0x9e: {  	_ =	swait.ge [sflag:s22], s20  }
0x9f: {  	s4 =	ssub.s32 $0x0, s20;
	[sflag:s22] =	ssyncset.done $0x0  }
0xa0: {  	[sflag:s22] =	ssyncadd.s32 s4;
	_ =	sdelay $0x1  }
0xa1: {  	s23 =	simm.s32 $0x1B8B  }
0xa2: {  	_ =	swait.ge [sflag:s23], $0x1  }
0xa3: {  	[sflag:s23] =	ssyncset.done $0x0  }
0xa4: {  	s25 =	simm.s32 $0x1B8E;
	s24 =	sld [smem:$0x3FFE];
	[sflag:s23] =	ssyncadd.s32 $0xFFFFFFFF  }
0xa5: {  	s26 =	simm.s32 $execute0_lowered;
	[smem:$0x3FD2] =	sst s25  }
0xa6: {  	s5 =	sshll.u32 s26, $0x1;
	_ =	strace $0x80000046;
	[dreg:$0x1] =	wrdreg $0xFFFFFFFF  }
0xa7: {  	s28 =	simm.s32 $_size_execute0_lowered;
	s3 =	sadd.s32 s3, s5;
	[dreg:$0x0] =	wrdreg $0x0  }
0xa8: {  	s5 =	sshll.u32 s28, $0x1;
	[dreg:$0x2] =	wrdreg s3  }
0xa9: {  	[dreg:$0x3] =	wrdreg s5  }
0xaa: {  	[dreg:$0x4] =	wrdreg $0xC0  }
0xab: {  	_ =	task [dreg:s7], $0x5FFFF  }
0xac: {  	[dreg:$0x1] =	wrdreg $0xFFFFFFFF  }
0xad: {  	[dreg:$0x0] =	wrdreg $0x60  }
0xae: {  	[dreg:$0x2] =	wrdreg s24  }
0xaf: {  	[dreg:$0x3] =	wrdreg s2  }
0xb0: {  	[dreg:$0x4] =	wrdreg $0x9  }
0xb1: {  	_ =	task.clear_ibuf [dreg:s7], $0x5FFFF;
	_ =	strace $0x90000046  }
0xb2: {  	s29 =	simm.s32 $0x9;
	_ =	strace $0x80000048  }
0xb3: {  	_ =	swait.ge [sflag:s29], $0x1  }
0xb4: {  	[sflag:s29] =	ssyncadd.s32 $0xFFFFFFFF  }
0xb5: {  	_ =	strace $0x90000048  }
0xb6: {  	_ =	sfence  }
0xb7: {  	s30 =	sld [smem:$0x0];
	_ =	sdelay $0x2  }
0xb8: {  	s31 =	sshll.u32 s1, $0xD;
	s1 =	sshrl.u32 s1, $0x2  }
0xb9: {  	s3 =	sand.u32 $0x4000, s31;
	s1 =	sadd.s32 s1, s30  }
0xba: {  	s0 =	sor.u32 s3, s0;
	s1 =	sshll.u32 s1, $0x11  }
0xbb: {  	s0 =	sor.u32 s1, s0  }
0xbc: {  	s0 =	sadd.s32 $0x8F2B, s0  }
0xbd: {  	[sflag:s0] =	ssyncadd.remote.s32 $0x1  }
0xbe: {  	_ =	sfence.sel $0xFFFF  }
0xbf: {  	[dreg:$0x0] =	wrdreg $0xFFFFFFFF;
	(pc) =	sbr.abs _section_cstart, $3  }
0xc0: {  	[dreg:$0x1] =	wrdreg $0xFFFFFFFF  }
0xc1: {  	_ =	task.clear_ibuf [dreg:s7], $0x2FFFF;
	_ =	strace $0x9FFFFFFF  }
0xc2: {  	(tm) =	ssettm $0x7FFFFFFF  }
0xc3: {  	_ =	shalt  }
tec
execute0_lowered:
.L_overlay_start_1:
0x0: {  	(tag) =	ssettag $0x1  }
0x1: {  	s1 =	srdreg.scid;
	s0 =	stileid.u32  }
0x2: {  	s10 =	rddreg [dreg:$0x0];
	s29 =	sand.u32 $0x1, s1;
	s31 =	sshll.u32 s0, $0x1  }
0x3: {  	s3 =	rddreg [dreg:$0x1];
	s11 =	sor.u32 s29, s31  }
0x4: {  	s2 =	simm.s32 $0x0;
	s1 =	rddreg [dreg:$0x2];
	s4 =	smul.u32 $0x190, s11  }
0x5: {  	[smem:$0x7FF] =	sst s2  }
0x6: {  	_ =	strace $0x80000047;
	s4 =	sadd.s32 s3, s4;
	s3 =	simm.s32 $0x3  }
0x7: {  	[tilespmem:s2], [sflag:$0x3] =	stream.linear.gather [hbm4b:s4+s2], $0xC80, $0x38;
	[tilespmem:$0x14C80] =	vst v63  }
0x8: {  	_ =	swait.ge [sflag:s3], $0xC80  }
0x9: {  	s6 =	simm.s32 $0x140;
	[sflag:s3] =	ssyncset.done $0x0  }
0xa: {  	s7 =	simm.s32 $0xC80;
	s5 =	sadd.s32 $0x4400, s10;
	[sflag:s3] =	ssyncadd.s32 $0xFFFFF380  }
0xb: {  	[tilespmem:s7], [sflag:$0x1] =	stream.indirect.gather [hbm4b:s5+s6], $0x80, s2, s6, $0xb8;
	[tilespmem:$0x14C80] =	vst v63  }
0xc: {  	s8 =	simm.s32 $0xAC80;
	s9 =	simm.s32 $0x1  }
0xd: {  	[tilespmem:s8], [sflag:$0x2] =	stream.indirect.gather [hbm4b:s5+s6], $0x80, s6, s6, $0xb8;
	[tilespmem:$0x14C80] =	vst v63  }
0xe: {  	s12 =	smul.u32 $0xC800, s11;
	_ =	swait.ge [sflag:s9], $0xA000  }
0xf: {  	s13 =	sadd.s32 $0x3D8000, s10;
	[sflag:s9] =	ssyncset.done $0x0  }
0x10: {  	s10 =	sadd.s32 s13, s12;
	[sflag:s9] =	ssyncadd.s32 $0xFFFF6000  }
0x11: {  	[hbm4b:s10+s2] =	stream.linear.scatter [tilespmem:s7], [sflag:$0x3], $0xA000, $0x38;
	[tilespmem:$0x14C80] =	vst v63  }
0x12: {  	_ =	swait.ge [sflag:s3], $0xA000  }
0x13: {  	s14 =	smul.u32 $0x64000, s11;
	[sflag:s3] =	ssyncset.done $0x0  }
0x14: {  	s11 =	simm.s32 $0x280;
	s12 =	simm.s32 $0x2;
	[sflag:s3] =	ssyncadd.s32 $0xFFFF6000  }
0x15: {  	[tilespmem:s7], [sflag:$0x1] =	stream.indirect.gather [hbm4b:s5+s6], $0x80, s11, s6, $0xb8;
	[tilespmem:$0x14C80] =	vst v63  }
0x16: {  	s14 =	sshrl.u32 s14, $0x3;
	_ =	swait.ge [sflag:s12], $0xA000  }
0x17: {  	s30 =	sadd.s32 s13, s14;
	[sflag:s12] =	ssyncset.done $0x0  }
0x18: {  	s13 =	sadd.s32 $0x1400, s30;
	[sflag:s12] =	ssyncadd.s32 $0xFFFF6000  }
0x19: {  	[hbm4b:s13+s2] =	stream.linear.scatter [tilespmem:s8], [sflag:$0x3], $0xA000, $0x38;
	[tilespmem:$0x14C80] =	vst v63  }
0x1a: {  	_ =	swait.ge [sflag:s3], $0xA000  }
0x1b: {  	[sflag:s3] =	ssyncset.done $0x0  }
0x1c: {  	s14 =	simm.s32 $0x3C0;
	[sflag:s3] =	ssyncadd.s32 $0xFFFF6000  }
0x1d: {  	[tilespmem:s8], [sflag:$0x2] =	stream.indirect.gather [hbm4b:s5+s6], $0x80, s14, s6, $0xb8;
	[tilespmem:$0x14C80] =	vst v63  }
0x1e: {  	_ =	swait.ge [sflag:s9], $0xA000  }
0x1f: {  	[sflag:s9] =	ssyncset.done $0x0  }
0x20: {  	s15 =	sadd.s32 $0x2800, s30;
	[sflag:s9] =	ssyncadd.s32 $0xFFFF6000  }
0x21: {  	[hbm4b:s15+s2] =	stream.linear.scatter [tilespmem:s7], [sflag:$0x3], $0xA000, $0x38;
	[tilespmem:$0x14C80] =	vst v63  }
0x22: {  	_ =	swait.ge [sflag:s3], $0xA000  }
0x23: {  	[sflag:s3] =	ssyncset.done $0x0  }
0x24: {  	s16 =	simm.s32 $0x500;
	[sflag:s3] =	ssyncadd.s32 $0xFFFF6000  }
0x25: {  	[tilespmem:s7], [sflag:$0x1] =	stream.indirect.gather [hbm4b:s5+s6], $0x80, s16, s6, $0xb8;
	[tilespmem:$0x14C80] =	vst v63  }
0x26: {  	_ =	swait.ge [sflag:s12], $0xA000  }
0x27: {  	[sflag:s12] =	ssyncset.done $0x0  }
0x28: {  	s17 =	sadd.s32 $0x3C00, s30;
	[sflag:s12] =	ssyncadd.s32 $0xFFFF6000  }
0x29: {  	[hbm4b:s17+s2] =	stream.linear.scatter [tilespmem:s8], [sflag:$0x3], $0xA000, $0x38;
	[tilespmem:$0x14C80] =	vst v63  }
0x2a: {  	_ =	swait.ge [sflag:s3], $0xA000  }
0x2b: {  	[sflag:s3] =	ssyncset.done $0x0  }
0x2c: {  	s18 =	simm.s32 $0x640;
	[sflag:s3] =	ssyncadd.s32 $0xFFFF6000  }
0x2d: {  	[tilespmem:s8], [sflag:$0x2] =	stream.indirect.gather [hbm4b:s5+s6], $0x80, s18, s6, $0xb8;
	[tilespmem:$0x14C80] =	vst v63  }
0x2e: {  	_ =	swait.ge [sflag:s9], $0xA000  }
0x2f: {  	[sflag:s9] =	ssyncset.done $0x0  }
0x30: {  	s19 =	sadd.s32 $0x5000, s30;
	[sflag:s9] =	ssyncadd.s32 $0xFFFF6000  }
0x31: {  	[hbm4b:s19+s2] =	stream.linear.scatter [tilespmem:s7], [sflag:$0x3], $0xA000, $0x38;
	[tilespmem:$0x14C80] =	vst v63  }
0x32: {  	_ =	swait.ge [sflag:s3], $0xA000  }
0x33: {  	[sflag:s3] =	ssyncset.done $0x0  }
0x34: {  	s20 =	simm.s32 $0x780;
	[sflag:s3] =	ssyncadd.s32 $0xFFFF6000  }
0x35: {  	[tilespmem:s7], [sflag:$0x1] =	stream.indirect.gather [hbm4b:s5+s6], $0x80, s20, s6, $0xb8;
	[tilespmem:$0x14C80] =	vst v63  }
0x36: {  	_ =	swait.ge [sflag:s12], $0xA000  }
0x37: {  	[sflag:s12] =	ssyncset.done $0x0  }
0x38: {  	s21 =	sadd.s32 $0x6400, s30;
	[sflag:s12] =	ssyncadd.s32 $0xFFFF6000  }
0x39: {  	[hbm4b:s21+s2] =	stream.linear.scatter [tilespmem:s8], [sflag:$0x3], $0xA000, $0x38;
	[tilespmem:$0x14C80] =	vst v63  }
0x3a: {  	_ =	swait.ge [sflag:s3], $0xA000  }
0x3b: {  	[sflag:s3] =	ssyncset.done $0x0  }
0x3c: {  	s22 =	simm.s32 $0x8C0;
	[sflag:s3] =	ssyncadd.s32 $0xFFFF6000  }
0x3d: {  	[tilespmem:s8], [sflag:$0x2] =	stream.indirect.gather [hbm4b:s5+s6], $0x80, s22, s6, $0xb8;
	[tilespmem:$0x14C80] =	vst v63  }
0x3e: {  	_ =	swait.ge [sflag:s9], $0xA000  }
0x3f: {  	[sflag:s9] =	ssyncset.done $0x0  }
0x40: {  	s23 =	sadd.s32 $0x7800, s30;
	[sflag:s9] =	ssyncadd.s32 $0xFFFF6000  }
0x41: {  	[hbm4b:s23+s2] =	stream.linear.scatter [tilespmem:s7], [sflag:$0x3], $0xA000, $0x38;
	[tilespmem:$0x14C80] =	vst v63  }
0x42: {  	_ =	swait.ge [sflag:s3], $0xA000  }
0x43: {  	[sflag:s3] =	ssyncset.done $0x0  }
0x44: {  	s24 =	simm.s32 $0xA00;
	[sflag:s3] =	ssyncadd.s32 $0xFFFF6000  }
0x45: {  	[tilespmem:s7], [sflag:$0x1] =	stream.indirect.gather [hbm4b:s5+s6], $0x80, s24, s6, $0xb8;
	[tilespmem:$0x14C80] =	vst v63  }
0x46: {  	_ =	swait.ge [sflag:s12], $0xA000  }
0x47: {  	[sflag:s12] =	ssyncset.done $0x0  }
0x48: {  	s25 =	sadd.s32 $0x8C00, s30;
	[sflag:s12] =	ssyncadd.s32 $0xFFFF6000  }
0x49: {  	[hbm4b:s25+s2] =	stream.linear.scatter [tilespmem:s8], [sflag:$0x3], $0xA000, $0x38;
	[tilespmem:$0x14C80] =	vst v63  }
0x4a: {  	_ =	swait.ge [sflag:s3], $0xA000  }
0x4b: {  	[sflag:s3] =	ssyncset.done $0x0  }
0x4c: {  	s26 =	simm.s32 $0xB40;
	[sflag:s3] =	ssyncadd.s32 $0xFFFF6000  }
0x4d: {  	[tilespmem:s8], [sflag:$0x2] =	stream.indirect.gather [hbm4b:s5+s6], $0x80, s26, s6, $0xb8;
	[tilespmem:$0x14C80] =	vst v63  }
0x4e: {  	_ =	swait.ge [sflag:s9], $0xA000  }
0x4f: {  	[sflag:s9] =	ssyncset.done $0x0  }
0x50: {  	s29 =	ssub.s32 $0x2, s29;
	s28 =	sadd.s32 $0xA000, s30;
	[sflag:s9] =	ssyncadd.s32 $0xFFFF6000  }
0x51: {  	[hbm4b:s28+s2] =	stream.linear.scatter [tilespmem:s7], [sflag:$0x3], $0xA000, $0x38;
	[tilespmem:$0x14C80] =	vst v63  }
0x52: {  	s31 =	sshrl.u32 s29, $0x1;
	_ =	swait.ge [sflag:s3], $0xA000  }
0x53: {  	s31 =	ssub.s32 s29, s31;
	[sflag:s3] =	ssyncset.done $0x0  }
0x54: {  	s29 =	sadd.s32 $0xB400, s30;
	s30 =	smax.u32 s31, $0x1;
	[sflag:s3] =	ssyncadd.s32 $0xFFFF6000  }
0x55: {  	p0 =	sne.s32 s30, $0x1;
	_ =	swait.ge [sflag:s12], $0xA000  }
.Ltmp0:
0x56: {  	[sflag:s12] =	ssyncset.done $0x0;
	(pc) =	sbr.rel @!p0 .LBB2_2-.Ltmp0, $4  }
0x57: {  	[sflag:s12] =	ssyncadd.s32 $0xFFFF6000  }
0x58: {  	[hbm4b:s29+s2] =	stream.linear.scatter [tilespmem:s8], [sflag:$0x3], $0xA000, $0x38;
	[tilespmem:$0x14C80] =	vst v63  }
0x59: {  	_ =	swait.ge [sflag:s3], $0xA000  }
0x5a: {  	s30 =	sadd.s32 $0xFFFFFFFF, s30;
	[sflag:s3] =	ssyncset.done $0x0  }
.LBB2_1:
0x5b: {  	p0 =	sne.s32 s30, $0x1;
	s30 =	sadd.s32 $0xFFFFFFFF, s30;
	[sflag:s3] =	ssyncadd.s32 $0xFFFF6000  }
0x5c: {  	[tilespmem:s2], [sflag:$0x3] =	stream.linear.gather [hbm4b:s4+s2], $0xC80, $0x38;
	[tilespmem:$0x14C80] =	vst v63  }
0x5d: {  	_ =	swait.ge [sflag:s3], $0xC80  }
0x5e: {  	[sflag:s3] =	ssyncset.done $0x0  }
0x5f: {  	[sflag:s3] =	ssyncadd.s32 $0xFFFFF380  }
0x60: {  	[tilespmem:s7], [sflag:$0x1] =	stream.indirect.gather [hbm4b:s5+s6], $0x80, s2, s6, $0xb8;
	[tilespmem:$0x14C80] =	vst v63  }
0x61: {  	_ = 	snop  }
0x62: {  	[tilespmem:s8], [sflag:$0x2] =	stream.indirect.gather [hbm4b:s5+s6], $0x80, s6, s6, $0xb8;
	[tilespmem:$0x14C80] =	vst v63  }
0x63: {  	_ =	swait.ge [sflag:s9], $0xA000  }
0x64: {  	[sflag:s9] =	ssyncset.done $0x0  }
0x65: {  	[sflag:s9] =	ssyncadd.s32 $0xFFFF6000  }
0x66: {  	[hbm4b:s10+s2] =	stream.linear.scatter [tilespmem:s7], [sflag:$0x3], $0xA000, $0x38;
	[tilespmem:$0x14C80] =	vst v63  }
0x67: {  	_ =	swait.ge [sflag:s3], $0xA000  }
0x68: {  	[sflag:s3] =	ssyncset.done $0x0  }
0x69: {  	[sflag:s3] =	ssyncadd.s32 $0xFFFF6000  }
0x6a: {  	[tilespmem:s7], [sflag:$0x1] =	stream.indirect.gather [hbm4b:s5+s6], $0x80, s11, s6, $0xb8;
	[tilespmem:$0x14C80] =	vst v63  }
0x6b: {  	_ =	swait.ge [sflag:s12], $0xA000  }
0x6c: {  	[sflag:s12] =	ssyncset.done $0x0  }
0x6d: {  	[sflag:s12] =	ssyncadd.s32 $0xFFFF6000  }
0x6e: {  	[hbm4b:s13+s2] =	stream.linear.scatter [tilespmem:s8], [sflag:$0x3], $0xA000, $0x38;
	[tilespmem:$0x14C80] =	vst v63  }
0x6f: {  	_ =	swait.ge [sflag:s3], $0xA000  }
0x70: {  	[sflag:s3] =	ssyncset.done $0x0  }
0x71: {  	[sflag:s3] =	ssyncadd.s32 $0xFFFF6000  }
0x72: {  	[tilespmem:s8], [sflag:$0x2] =	stream.indirect.gather [hbm4b:s5+s6], $0x80, s14, s6, $0xb8;
	[tilespmem:$0x14C80] =	vst v63  }
0x73: {  	_ =	swait.ge [sflag:s9], $0xA000  }
0x74: {  	[sflag:s9] =	ssyncset.done $0x0  }
0x75: {  	[sflag:s9] =	ssyncadd.s32 $0xFFFF6000  }
0x76: {  	[hbm4b:s15+s2] =	stream.linear.scatter [tilespmem:s7], [sflag:$0x3], $0xA000, $0x38;
	[tilespmem:$0x14C80] =	vst v63  }
0x77: {  	_ =	swait.ge [sflag:s3], $0xA000  }
0x78: {  	[sflag:s3] =	ssyncset.done $0x0  }
0x79: {  	[sflag:s3] =	ssyncadd.s32 $0xFFFF6000  }
0x7a: {  	[tilespmem:s7], [sflag:$0x1] =	stream.indirect.gather [hbm4b:s5+s6], $0x80, s16, s6, $0xb8;
	[tilespmem:$0x14C80] =	vst v63  }
0x7b: {  	_ =	swait.ge [sflag:s12], $0xA000  }
0x7c: {  	[sflag:s12] =	ssyncset.done $0x0  }
0x7d: {  	[sflag:s12] =	ssyncadd.s32 $0xFFFF6000  }
0x7e: {  	[hbm4b:s17+s2] =	stream.linear.scatter [tilespmem:s8], [sflag:$0x3], $0xA000, $0x38;
	[tilespmem:$0x14C80] =	vst v63  }
0x7f: {  	_ =	swait.ge [sflag:s3], $0xA000  }
0x80: {  	[sflag:s3] =	ssyncset.done $0x0  }
0x81: {  	[sflag:s3] =	ssyncadd.s32 $0xFFFF6000  }
0x82: {  	[tilespmem:s8], [sflag:$0x2] =	stream.indirect.gather [hbm4b:s5+s6], $0x80, s18, s6, $0xb8;
	[tilespmem:$0x14C80] =	vst v63  }
0x83: {  	_ =	swait.ge [sflag:s9], $0xA000  }
0x84: {  	[sflag:s9] =	ssyncset.done $0x0  }
0x85: {  	[sflag:s9] =	ssyncadd.s32 $0xFFFF6000  }
0x86: {  	[hbm4b:s19+s2] =	stream.linear.scatter [tilespmem:s7], [sflag:$0x3], $0xA000, $0x38;
	[tilespmem:$0x14C80] =	vst v63  }
0x87: {  	_ =	swait.ge [sflag:s3], $0xA000  }
0x88: {  	[sflag:s3] =	ssyncset.done $0x0  }
0x89: {  	[sflag:s3] =	ssyncadd.s32 $0xFFFF6000  }
0x8a: {  	[tilespmem:s7], [sflag:$0x1] =	stream.indirect.gather [hbm4b:s5+s6], $0x80, s20, s6, $0xb8;
	[tilespmem:$0x14C80] =	vst v63  }
0x8b: {  	_ =	swait.ge [sflag:s12], $0xA000  }
0x8c: {  	[sflag:s12] =	ssyncset.done $0x0  }
0x8d: {  	[sflag:s12] =	ssyncadd.s32 $0xFFFF6000  }
0x8e: {  	[hbm4b:s21+s2] =	stream.linear.scatter [tilespmem:s8], [sflag:$0x3], $0xA000, $0x38;
	[tilespmem:$0x14C80] =	vst v63  }
0x8f: {  	_ =	swait.ge [sflag:s3], $0xA000  }
0x90: {  	[sflag:s3] =	ssyncset.done $0x0  }
0x91: {  	[sflag:s3] =	ssyncadd.s32 $0xFFFF6000  }
0x92: {  	[tilespmem:s8], [sflag:$0x2] =	stream.indirect.gather [hbm4b:s5+s6], $0x80, s22, s6, $0xb8;
	[tilespmem:$0x14C80] =	vst v63  }
0x93: {  	_ =	swait.ge [sflag:s9], $0xA000  }
0x94: {  	[sflag:s9] =	ssyncset.done $0x0  }
0x95: {  	[sflag:s9] =	ssyncadd.s32 $0xFFFF6000  }
0x96: {  	[hbm4b:s23+s2] =	stream.linear.scatter [tilespmem:s7], [sflag:$0x3], $0xA000, $0x38;
	[tilespmem:$0x14C80] =	vst v63  }
0x97: {  	_ =	swait.ge [sflag:s3], $0xA000  }
0x98: {  	[sflag:s3] =	ssyncset.done $0x0  }
0x99: {  	[sflag:s3] =	ssyncadd.s32 $0xFFFF6000  }
0x9a: {  	[tilespmem:s7], [sflag:$0x1] =	stream.indirect.gather [hbm4b:s5+s6], $0x80, s24, s6, $0xb8;
	[tilespmem:$0x14C80] =	vst v63  }
0x9b: {  	_ =	swait.ge [sflag:s12], $0xA000  }
0x9c: {  	[sflag:s12] =	ssyncset.done $0x0  }
0x9d: {  	[sflag:s12] =	ssyncadd.s32 $0xFFFF6000  }
0x9e: {  	[hbm4b:s25+s2] =	stream.linear.scatter [tilespmem:s8], [sflag:$0x3], $0xA000, $0x38;
	[tilespmem:$0x14C80] =	vst v63  }
0x9f: {  	_ =	swait.ge [sflag:s3], $0xA000  }
0xa0: {  	[sflag:s3] =	ssyncset.done $0x0  }
0xa1: {  	[sflag:s3] =	ssyncadd.s32 $0xFFFF6000  }
0xa2: {  	[tilespmem:s8], [sflag:$0x2] =	stream.indirect.gather [hbm4b:s5+s6], $0x80, s26, s6, $0xb8;
	[tilespmem:$0x14C80] =	vst v63  }
0xa3: {  	_ =	swait.ge [sflag:s9], $0xA000  }
0xa4: {  	[sflag:s9] =	ssyncset.done $0x0  }
0xa5: {  	[sflag:s9] =	ssyncadd.s32 $0xFFFF6000  }
0xa6: {  	[hbm4b:s28+s2] =	stream.linear.scatter [tilespmem:s7], [sflag:$0x3], $0xA000, $0x38;
	[tilespmem:$0x14C80] =	vst v63  }
0xa7: {  	_ =	swait.ge [sflag:s3], $0xA000  }
0xa8: {  	[sflag:s3] =	ssyncset.done $0x0  }
0xa9: {  	[sflag:s3] =	ssyncadd.s32 $0xFFFF6000  }
0xaa: {  	_ =	swait.ge [sflag:s12], $0xA000  }
.Ltmp1:
0xab: {  	[sflag:s12] =	ssyncset.done $0x0;
	(pc) =	sbr.rel @p0 .LBB2_1-.Ltmp1, $4  }
0xac: {  	[sflag:s12] =	ssyncadd.s32 $0xFFFF6000  }
0xad: {  	[hbm4b:s29+s2] =	stream.linear.scatter [tilespmem:s8], [sflag:$0x3], $0xA000, $0x38;
	[tilespmem:$0x14C80] =	vst v63  }
0xae: {  	_ =	swait.ge [sflag:s3], $0xA000  }
0xaf: {  	[sflag:s3] =	ssyncset.done $0x0  }
.LBB2_2:
0xb0: {  	[sflag:s3] =	ssyncadd.s32 $0xFFFF6000  }
0xb1: {  	_ =	sfence.sel $0x180000  }
0xb2: {  	[bflag:$0x0] =	sbarrier.arrive $0xFFFF  }
0xb3: {  	p0 =	sne.s32 s0, $0x0;
	_ =	strace $0x90000047  }
0xb4: {  	s0 =	sadd.s32 @!p0 $0x100000, s1;
	[bflag:$0x2] =	sbarrier.arrive $0xFFFF  }
0xb5: {  	[sflag:s0] =	ssyncadd.tile.s32 @!p0 $0x1;
	_ =	shalt  }
.Lfunc_end2:
_tile_overlayer_lowered:
.L_overlay_start_2:
0xb6: {  	(tag) =	ssettag $0x2  }
0xb7: {  	s0 =	rddreg [dreg:$0x0];
	s2 =	stileid.u32  }
0xb8: {  	s1 =	rddreg [dreg:$0x1];
	p0 =	sne.s32 s2, $0x0  }
0xb9: {  	s3 =	rddreg [dreg:$0x2];
	[bflag:$0x3] =	sbarrier.arrive $0xFFFF;
	s2 =	simm.s32 @!p0 $0x1C03  }
0xba: {  	[timem:s3], [sflag:s2] =	dma.local @!p0 [hbm:s0], s1  }
0xbb: {  	s0 =	simm.s32 @!p0 $0x3  }
0xbc: {  	_ =	swait.ge @!p0 [sflag:s0], s1  }
0xbd: {  	s1 =	ssub.s32 @!p0 $0x0, s1;
	[sflag:s0] =	ssyncset.done @!p0 $0x0  }
0xbe: {  	[sflag:s0] =	ssyncadd.s32 @!p0 s1  }
0xbf: {  	[bflag:$0x3] =	sbarrier.arrive $0xFFFF  }
0xc0: {  	_ =	shalt  }

</sc_bundles>
